<compile_context>
chip_gen: v7x
topology: tpu7x:2x2x1
jax: 0.10.2.dev20260603
libtpu: 0.0.44.dev20260713+nightly
codegen_flags: <defaults>
</compile_context>

<pallas_src>
import jax
import jax.numpy as jnp
from jax import lax
from jax.experimental import pallas as pl
from jax.experimental.pallas import tpu as pltpu
from jax.experimental.pallas import tpu_sc as plsc

_ROWS = 8192
_COLS = 2048
_NC = 2
_NS = 16
_NW = _NC * _NS
_RPW = _ROWS // _NW
_CROWS = 16
_NB = 3
_NCH = _RPW // _CROWS


def _tec_body(src_hbm, dst_hbm, buf, *sems):
    sin = sems[:_NB]
    sout = sems[_NB:]
    wid = lax.axis_index("s") * _NC + lax.axis_index("c")
    sid = lax.axis_index("s")
    base = wid * _RPW

    def in_copy(j):
        return pltpu.make_async_copy(
            src_hbm.at[pl.ds(base + j * _CROWS, _CROWS), :],
            buf.at[sid, j % _NB], sin[j % _NB])

    def out_copy(j):
        return pltpu.make_async_copy(
            buf.at[sid, j % _NB],
            dst_hbm.at[pl.ds(base + j * _CROWS, _CROWS), :], sout[j % _NB])

    for b in range(_NB):
        in_copy(b).start()
    for j in range(_NCH):
        if j >= _NB:
            out_copy(j - _NB).wait()
            in_copy(j).start()
        in_copy(j).wait()
        out_copy(j).start()
    for j in range(_NCH - _NB, _NCH):
        out_copy(j).wait()


def kernel(inputs, pos_table):
    del inputs
    k = pl.kernel(
        _tec_body,
        out_type=jax.ShapeDtypeStruct((_ROWS, _COLS), jnp.float32),
        mesh=plsc.VectorSubcoreMesh(core_axis_name="c", subcore_axis_name="s"),
        scratch_types=(
            [pltpu.VMEM_SHARED((_NS, _NB, _CROWS, _COLS), jnp.float32)]
            + [pltpu.SemaphoreType.DMA] * (2 * _NB)
        ),
    )
    return k(pos_table)

# --- scband reference (transcript-rebuilt; emitter-appended) ---
"""Pipeline reference for scband-positional-embedding-90031104459255 (READ-ONLY COPY).

The authoritative reference and input builder live on the scoring server;
editing this copy changes nothing except your own understanding.
"""

import jax, jax.numpy as jnp
import numpy as np

MAX_LEN = 8192
D_MODEL = 2048

def setup_inputs(seed: int = 0) -> dict:
    key = jax.random.key(seed)
    k1, k2 = jax.random.split(key)
    inputs = jax.random.randint(k1, (4, 8192), 0, 32000, dtype=jnp.int64) if jax.config.jax_enable_x64 else jax.random.randint(k1, (4, 8192), 0, 32000, dtype=jnp.int32)
    pos_table = jax.random.normal(k2, (MAX_LEN, D_MODEL), dtype=jnp.float32) * 0.02
    return {"inputs": inputs, "pos_table": pos_table}

def reference(inputs, pos_table):
    # Faithful translation of PositionalEmbedding.call:
    #   seq_len = tf.shape(inputs)[1]
    #   positions = tf.range(0, seq_len, 1)
    #   return self.pos_embedding(positions)
    seq_len = inputs.shape[1]
    positions = jnp.arange(0, seq_len, 1)
    return jnp.take(pos_table, positions, axis=0)

if __name__ == "__main__":
    import jax
    _d = setup_inputs()
    print(jax.jit(kernel)(*tuple(_d.values())))

</pallas_src>

<mosaic_0001>
#map = affine_map<(d0, d1) -> (0, 0)>
module attributes {stable_mosaic.version = 14 : i64} {
  func.func @_tec_body(%arg0: i32, %arg1: i32, %arg2: memref<8192x2048xf32, #tpu.memory_space<hbm>>, %arg3: memref<8192x2048xf32, #tpu.memory_space<hbm>>, %arg4: memref<16x3x16x2048xf32, #tpu.memory_space<vmem_shared>>, %arg5: memref<!tpu.dma_semaphore, #tpu.memory_space<semaphore_mem>>, %arg6: memref<!tpu.dma_semaphore, #tpu.memory_space<semaphore_mem>>, %arg7: memref<!tpu.dma_semaphore, #tpu.memory_space<semaphore_mem>>, %arg8: memref<!tpu.dma_semaphore, #tpu.memory_space<semaphore_mem>>, %arg9: memref<!tpu.dma_semaphore, #tpu.memory_space<semaphore_mem>>, %arg10: memref<!tpu.dma_semaphore, #tpu.memory_space<semaphore_mem>>) attributes {dimension_semantics = [#tpu.dimension_semantics<core_parallel>, #tpu.dimension_semantics<subcore_parallel>], iteration_bounds = array<i64: 2, 16>, scalar_prefetch = 0 : i64, scratch_operands = 7 : i64, tpu.core_type = #tpu.core_type<sc_vector_subcore>, window_params = [{transform_indices = #map}, {transform_indices = #map}]} {
    %mul3A = arith.constant 2 : i32
    %mul3A_0 = arith.muli %arg1, %mul3A : i32
    %add3A = arith.addi %mul3A_0, %arg0 : i32
    %mul3A_1 = arith.constant 256 : i32
    %mul3A_2 = arith.muli %add3A, %mul3A_1 : i32
    %add3A_3 = arith.constant 0 : i32
    %add3A_4 = arith.addi %mul3A_2, %add3A_3 : i32
    %dma_start3A = arith.constant 0 : i32
    %dma_start3A_5 = arith.constant 0 : i32
    %dma_start3A_6 = arith.constant 0 : i32
    %dma_start3A_7 = tpu.memref_slice %arg4[%arg1, %dma_start3A, %dma_start3A_5, %dma_start3A_6] : memref<16x3x16x2048xf32, #tpu.memory_space<vmem_shared>> -> memref<1x1x16x2048xf32, #tpu.memory_space<vmem_shared>>
    %dma_start3A_8 = tpu.memref_squeeze %dma_start3A_7 : memref<1x1x16x2048xf32, #tpu.memory_space<vmem_shared>> -> memref<16x2048xf32, #tpu.memory_space<vmem_shared>>
    %dma_start3A_9 = arith.constant 0 : i32
    %dma_start3A_10 = tpu.memref_slice %arg2[%add3A_4, %dma_start3A_9] : memref<8192x2048xf32, #tpu.memory_space<hbm>> -> memref<16x2048xf32, #tpu.memory_space<hbm>>
    tpu.enqueue_dma source(%dma_start3A_10 : memref<16x2048xf32, #tpu.memory_space<hbm>>) target(%dma_start3A_8 : memref<16x2048xf32, #tpu.memory_space<vmem_shared>>) target_semaphore(%arg5 : memref<!tpu.dma_semaphore, #tpu.memory_space<semaphore_mem>>)
    %add3A_11 = arith.constant 16 : i32
    %add3A_12 = arith.addi %mul3A_2, %add3A_11 : i32
    %dma_start3A_13 = arith.constant 1 : i32
    %dma_start3A_14 = arith.constant 0 : i32
    %dma_start3A_15 = arith.constant 0 : i32
    %dma_start3A_16 = tpu.memref_slice %arg4[%arg1, %dma_start3A_13, %dma_start3A_14, %dma_start3A_15] : memref<16x3x16x2048xf32, #tpu.memory_space<vmem_shared>> -> memref<1x1x16x2048xf32, #tpu.memory_space<vmem_shared>>
    %dma_start3A_17 = tpu.memref_squeeze %dma_start3A_16 : memref<1x1x16x2048xf32, #tpu.memory_space<vmem_shared>> -> memref<16x2048xf32, #tpu.memory_space<vmem_shared>>
    %dma_start3A_18 = arith.constant 0 : i32
    %dma_start3A_19 = tpu.memref_slice %arg2[%add3A_12, %dma_start3A_18] : memref<8192x2048xf32, #tpu.memory_space<hbm>> -> memref<16x2048xf32, #tpu.memory_space<hbm>>
    tpu.enqueue_dma source(%dma_start3A_19 : memref<16x2048xf32, #tpu.memory_space<hbm>>) target(%dma_start3A_17 : memref<16x2048xf32, #tpu.memory_space<vmem_shared>>) target_semaphore(%arg6 : memref<!tpu.dma_semaphore, #tpu.memory_space<semaphore_mem>>)
    %add3A_20 = arith.constant 32 : i32
    %add3A_21 = arith.addi %mul3A_2, %add3A_20 : i32
    %dma_start3A_22 = arith.constant 2 : i32
    %dma_start3A_23 = arith.constant 0 : i32
    %dma_start3A_24 = arith.constant 0 : i32
    %dma_start3A_25 = tpu.memref_slice %arg4[%arg1, %dma_start3A_22, %dma_start3A_23, %dma_start3A_24] : memref<16x3x16x2048xf32, #tpu.memory_space<vmem_shared>> -> memref<1x1x16x2048xf32, #tpu.memory_space<vmem_shared>>
    %dma_start3A_26 = tpu.memref_squeeze %dma_start3A_25 : memref<1x1x16x2048xf32, #tpu.memory_space<vmem_shared>> -> memref<16x2048xf32, #tpu.memory_space<vmem_shared>>
    %dma_start3A_27 = arith.constant 0 : i32
    %dma_start3A_28 = tpu.memref_slice %arg2[%add3A_21, %dma_start3A_27] : memref<8192x2048xf32, #tpu.memory_space<hbm>> -> memref<16x2048xf32, #tpu.memory_space<hbm>>
    tpu.enqueue_dma source(%dma_start3A_28 : memref<16x2048xf32, #tpu.memory_space<hbm>>) target(%dma_start3A_26 : memref<16x2048xf32, #tpu.memory_space<vmem_shared>>) target_semaphore(%arg7 : memref<!tpu.dma_semaphore, #tpu.memory_space<semaphore_mem>>)
    %add3A_29 = arith.constant 0 : i32
    %add3A_30 = arith.addi %mul3A_2, %add3A_29 : i32
    %dma_wait3A = arith.constant 0 : i32
    %dma_wait3A_31 = arith.constant 0 : i32
    %dma_wait3A_32 = arith.constant 0 : i32
    %dma_wait3A_33 = tpu.memref_slice %arg4[%arg1, %dma_wait3A, %dma_wait3A_31, %dma_wait3A_32] : memref<16x3x16x2048xf32, #tpu.memory_space<vmem_shared>> -> memref<1x1x16x2048xf32, #tpu.memory_space<vmem_shared>>
    %dma_wait3A_34 = tpu.memref_squeeze %dma_wait3A_33 : memref<1x1x16x2048xf32, #tpu.memory_space<vmem_shared>> -> memref<16x2048xf32, #tpu.memory_space<vmem_shared>>
    %dma_wait3A_35 = arith.constant 0 : i32
    %dma_wait3A_36 = tpu.memref_slice %arg2[%add3A_30, %dma_wait3A_35] : memref<8192x2048xf32, #tpu.memory_space<hbm>> -> memref<16x2048xf32, #tpu.memory_space<hbm>>
    tpu.wait_dma2 semaphore(%arg5 : memref<!tpu.dma_semaphore, #tpu.memory_space<semaphore_mem>>) src(%dma_wait3A_36 : memref<16x2048xf32, #tpu.memory_space<hbm>>) dst(%dma_wait3A_34 : memref<16x2048xf32, #tpu.memory_space<vmem_shared>>)
    %add3A_37 = arith.constant 0 : i32
    %add3A_38 = arith.addi %mul3A_2, %add3A_37 : i32
    %dma_start3A_39 = arith.constant 0 : i32
    %dma_start3A_40 = arith.constant 0 : i32
    %dma_start3A_41 = tpu.memref_slice %arg3[%add3A_38, %dma_start3A_40] : memref<8192x2048xf32, #tpu.memory_space<hbm>> -> memref<16x2048xf32, #tpu.memory_space<hbm>>
    %dma_start3A_42 = arith.constant 0 : i32
    %dma_start3A_43 = arith.constant 0 : i32
    %dma_start3A_44 = tpu.memref_slice %arg4[%arg1, %dma_start3A_39, %dma_start3A_42, %dma_start3A_43] : memref<16x3x16x2048xf32, #tpu.memory_space<vmem_shared>> -> memref<1x1x16x2048xf32, #tpu.memory_space<vmem_shared>>
    %dma_start3A_45 = tpu.memref_squeeze %dma_start3A_44 : memref<1x1x16x2048xf32, #tpu.memory_space<vmem_shared>> -> memref<16x2048xf32, #tpu.memory_space<vmem_shared>>
    tpu.enqueue_dma source(%dma_start3A_45 : memref<16x2048xf32, #tpu.memory_space<vmem_shared>>) target(%dma_start3A_41 : memref<16x2048xf32, #tpu.memory_space<hbm>>) target_semaphore(%arg8 : memref<!tpu.dma_semaphore, #tpu.memory_space<semaphore_mem>>)
    %add3A_46 = arith.constant 16 : i32
    %add3A_47 = arith.addi %mul3A_2, %add3A_46 : i32
    %dma_wait3A_48 = arith.constant 1 : i32
    %dma_wait3A_49 = arith.constant 0 : i32
    %dma_wait3A_50 = arith.constant 0 : i32
    %dma_wait3A_51 = tpu.memref_slice %arg4[%arg1, %dma_wait3A_48, %dma_wait3A_49, %dma_wait3A_50] : memref<16x3x16x2048xf32, #tpu.memory_space<vmem_shared>> -> memref<1x1x16x2048xf32, #tpu.memory_space<vmem_shared>>
    %dma_wait3A_52 = tpu.memref_squeeze %dma_wait3A_51 : memref<1x1x16x2048xf32, #tpu.memory_space<vmem_shared>> -> memref<16x2048xf32, #tpu.memory_space<vmem_shared>>
    %dma_wait3A_53 = arith.constant 0 : i32
    %dma_wait3A_54 = tpu.memref_slice %arg2[%add3A_47, %dma_wait3A_53] : memref<8192x2048xf32, #tpu.memory_space<hbm>> -> memref<16x2048xf32, #tpu.memory_space<hbm>>
    tpu.wait_dma2 semaphore(%arg6 : memref<!tpu.dma_semaphore, #tpu.memory_space<semaphore_mem>>) src(%dma_wait3A_54 : memref<16x2048xf32, #tpu.memory_space<hbm>>) dst(%dma_wait3A_52 : memref<16x2048xf32, #tpu.memory_space<vmem_shared>>)
    %add3A_55 = arith.constant 16 : i32
    %add3A_56 = arith.addi %mul3A_2, %add3A_55 : i32
    %dma_start3A_57 = arith.constant 1 : i32
    %dma_start3A_58 = arith.constant 0 : i32
    %dma_start3A_59 = tpu.memref_slice %arg3[%add3A_56, %dma_start3A_58] : memref<8192x2048xf32, #tpu.memory_space<hbm>> -> memref<16x2048xf32, #tpu.memory_space<hbm>>
    %dma_start3A_60 = arith.constant 0 : i32
    %dma_start3A_61 = arith.constant 0 : i32
    %dma_start3A_62 = tpu.memref_slice %arg4[%arg1, %dma_start3A_57, %dma_start3A_60, %dma_start3A_61] : memref<16x3x16x2048xf32, #tpu.memory_space<vmem_shared>> -> memref<1x1x16x2048xf32, #tpu.memory_space<vmem_shared>>
    %dma_start3A_63 = tpu.memref_squeeze %dma_start3A_62 : memref<1x1x16x2048xf32, #tpu.memory_space<vmem_shared>> -> memref<16x2048xf32, #tpu.memory_space<vmem_shared>>
    tpu.enqueue_dma source(%dma_start3A_63 : memref<16x2048xf32, #tpu.memory_space<vmem_shared>>) target(%dma_start3A_59 : memref<16x2048xf32, #tpu.memory_space<hbm>>) target_semaphore(%arg9 : memref<!tpu.dma_semaphore, #tpu.memory_space<semaphore_mem>>)
    %add3A_64 = arith.constant 32 : i32
    %add3A_65 = arith.addi %mul3A_2, %add3A_64 : i32
    %dma_wait3A_66 = arith.constant 2 : i32
    %dma_wait3A_67 = arith.constant 0 : i32
    %dma_wait3A_68 = arith.constant 0 : i32
    %dma_wait3A_69 = tpu.memref_slice %arg4[%arg1, %dma_wait3A_66, %dma_wait3A_67, %dma_wait3A_68] : memref<16x3x16x2048xf32, #tpu.memory_space<vmem_shared>> -> memref<1x1x16x2048xf32, #tpu.memory_space<vmem_shared>>
    %dma_wait3A_70 = tpu.memref_squeeze %dma_wait3A_69 : memref<1x1x16x2048xf32, #tpu.memory_space<vmem_shared>> -> memref<16x2048xf32, #tpu.memory_space<vmem_shared>>
    %dma_wait3A_71 = arith.constant 0 : i32
    %dma_wait3A_72 = tpu.memref_slice %arg2[%add3A_65, %dma_wait3A_71] : memref<8192x2048xf32, #tpu.memory_space<hbm>> -> memref<16x2048xf32, #tpu.memory_space<hbm>>
    tpu.wait_dma2 semaphore(%arg7 : memref<!tpu.dma_semaphore, #tpu.memory_space<semaphore_mem>>) src(%dma_wait3A_72 : memref<16x2048xf32, #tpu.memory_space<hbm>>) dst(%dma_wait3A_70 : memref<16x2048xf32, #tpu.memory_space<vmem_shared>>)
    %add3A_73 = arith.constant 32 : i32
    %add3A_74 = arith.addi %mul3A_2, %add3A_73 : i32
    %dma_start3A_75 = arith.constant 2 : i32
    %dma_start3A_76 = arith.constant 0 : i32
    %dma_start3A_77 = tpu.memref_slice %arg3[%add3A_74, %dma_start3A_76] : memref<8192x2048xf32, #tpu.memory_space<hbm>> -> memref<16x2048xf32, #tpu.memory_space<hbm>>
    %dma_start3A_78 = arith.constant 0 : i32
    %dma_start3A_79 = arith.constant 0 : i32
    %dma_start3A_80 = tpu.memref_slice %arg4[%arg1, %dma_start3A_75, %dma_start3A_78, %dma_start3A_79] : memref<16x3x16x2048xf32, #tpu.memory_space<vmem_shared>> -> memref<1x1x16x2048xf32, #tpu.memory_space<vmem_shared>>
    %dma_start3A_81 = tpu.memref_squeeze %dma_start3A_80 : memref<1x1x16x2048xf32, #tpu.memory_space<vmem_shared>> -> memref<16x2048xf32, #tpu.memory_space<vmem_shared>>
    tpu.enqueue_dma source(%dma_start3A_81 : memref<16x2048xf32, #tpu.memory_space<vmem_shared>>) target(%dma_start3A_77 : memref<16x2048xf32, #tpu.memory_space<hbm>>) target_semaphore(%arg10 : memref<!tpu.dma_semaphore, #tpu.memory_space<semaphore_mem>>)
    %add3A_82 = arith.constant 0 : i32
    %add3A_83 = arith.addi %mul3A_2, %add3A_82 : i32
    %dma_wait3A_84 = arith.constant 0 : i32
    %dma_wait3A_85 = arith.constant 0 : i32
    %dma_wait3A_86 = tpu.memref_slice %arg3[%add3A_83, %dma_wait3A_85] : memref<8192x2048xf32, #tpu.memory_space<hbm>> -> memref<16x2048xf32, #tpu.memory_space<hbm>>
    %dma_wait3A_87 = arith.constant 0 : i32
    %dma_wait3A_88 = arith.constant 0 : i32
    %dma_wait3A_89 = tpu.memref_slice %arg4[%arg1, %dma_wait3A_84, %dma_wait3A_87, %dma_wait3A_88] : memref<16x3x16x2048xf32, #tpu.memory_space<vmem_shared>> -> memref<1x1x16x2048xf32, #tpu.memory_space<vmem_shared>>
    %dma_wait3A_90 = tpu.memref_squeeze %dma_wait3A_89 : memref<1x1x16x2048xf32, #tpu.memory_space<vmem_shared>> -> memref<16x2048xf32, #tpu.memory_space<vmem_shared>>
    tpu.wait_dma2 semaphore(%arg8 : memref<!tpu.dma_semaphore, #tpu.memory_space<semaphore_mem>>) src(%dma_wait3A_90 : memref<16x2048xf32, #tpu.memory_space<vmem_shared>>) dst(%dma_wait3A_86 : memref<16x2048xf32, #tpu.memory_space<hbm>>)
    %add3A_91 = arith.constant 48 : i32
    %add3A_92 = arith.addi %mul3A_2, %add3A_91 : i32
    %dma_start3A_93 = arith.constant 0 : i32
    %dma_start3A_94 = arith.constant 0 : i32
    %dma_start3A_95 = arith.constant 0 : i32
    %dma_start3A_96 = tpu.memref_slice %arg4[%arg1, %dma_start3A_93, %dma_start3A_94, %dma_start3A_95] : memref<16x3x16x2048xf32, #tpu.memory_space<vmem_shared>> -> memref<1x1x16x2048xf32, #tpu.memory_space<vmem_shared>>
    %dma_start3A_97 = tpu.memref_squeeze %dma_start3A_96 : memref<1x1x16x2048xf32, #tpu.memory_space<vmem_shared>> -> memref<16x2048xf32, #tpu.memory_space<vmem_shared>>
    %dma_start3A_98 = arith.constant 0 : i32
    %dma_start3A_99 = tpu.memref_slice %arg2[%add3A_92, %dma_start3A_98] : memref<8192x2048xf32, #tpu.memory_space<hbm>> -> memref<16x2048xf32, #tpu.memory_space<hbm>>
    tpu.enqueue_dma source(%dma_start3A_99 : memref<16x2048xf32, #tpu.memory_space<hbm>>) target(%dma_start3A_97 : memref<16x2048xf32, #tpu.memory_space<vmem_shared>>) target_semaphore(%arg5 : memref<!tpu.dma_semaphore, #tpu.memory_space<semaphore_mem>>)
    %add3A_100 = arith.constant 48 : i32
    %add3A_101 = arith.addi %mul3A_2, %add3A_100 : i32
    %dma_wait3A_102 = arith.constant 0 : i32
    %dma_wait3A_103 = arith.constant 0 : i32
    %dma_wait3A_104 = arith.constant 0 : i32
    %dma_wait3A_105 = tpu.memref_slice %arg4[%arg1, %dma_wait3A_102, %dma_wait3A_103, %dma_wait3A_104] : memref<16x3x16x2048xf32, #tpu.memory_space<vmem_shared>> -> memref<1x1x16x2048xf32, #tpu.memory_space<vmem_shared>>
    %dma_wait3A_106 = tpu.memref_squeeze %dma_wait3A_105 : memref<1x1x16x2048xf32, #tpu.memory_space<vmem_shared>> -> memref<16x2048xf32, #tpu.memory_space<vmem_shared>>
    %dma_wait3A_107 = arith.constant 0 : i32
    %dma_wait3A_108 = tpu.memref_slice %arg2[%add3A_101, %dma_wait3A_107] : memref<8192x2048xf32, #tpu.memory_space<hbm>> -> memref<16x2048xf32, #tpu.memory_space<hbm>>
    tpu.wait_dma2 semaphore(%arg5 : memref<!tpu.dma_semaphore, #tpu.memory_space<semaphore_mem>>) src(%dma_wait3A_108 : memref<16x2048xf32, #tpu.memory_space<hbm>>) dst(%dma_wait3A_106 : memref<16x2048xf32, #tpu.memory_space<vmem_shared>>)
    %add3A_109 = arith.constant 48 : i32
    %add3A_110 = arith.addi %mul3A_2, %add3A_109 : i32
    %dma_start3A_111 = arith.constant 0 : i32
    %dma_start3A_112 = arith.constant 0 : i32
    %dma_start3A_113 = tpu.memref_slice %arg3[%add3A_110, %dma_start3A_112] : memref<8192x2048xf32, #tpu.memory_space<hbm>> -> memref<16x2048xf32, #tpu.memory_space<hbm>>
    %dma_start3A_114 = arith.constant 0 : i32
    %dma_start3A_115 = arith.constant 0 : i32
    %dma_start3A_116 = tpu.memref_slice %arg4[%arg1, %dma_start3A_111, %dma_start3A_114, %dma_start3A_115] : memref<16x3x16x2048xf32, #tpu.memory_space<vmem_shared>> -> memref<1x1x16x2048xf32, #tpu.memory_space<vmem_shared>>
    %dma_start3A_117 = tpu.memref_squeeze %dma_start3A_116 : memref<1x1x16x2048xf32, #tpu.memory_space<vmem_shared>> -> memref<16x2048xf32, #tpu.memory_space<vmem_shared>>
    tpu.enqueue_dma source(%dma_start3A_117 : memref<16x2048xf32, #tpu.memory_space<vmem_shared>>) target(%dma_start3A_113 : memref<16x2048xf32, #tpu.memory_space<hbm>>) target_semaphore(%arg8 : memref<!tpu.dma_semaphore, #tpu.memory_space<semaphore_mem>>)
    %add3A_118 = arith.constant 16 : i32
    %add3A_119 = arith.addi %mul3A_2, %add3A_118 : i32
    %dma_wait3A_120 = arith.constant 1 : i32
    %dma_wait3A_121 = arith.constant 0 : i32
    %dma_wait3A_122 = tpu.memref_slice %arg3[%add3A_119, %dma_wait3A_121] : memref<8192x2048xf32, #tpu.memory_space<hbm>> -> memref<16x2048xf32, #tpu.memory_space<hbm>>
    %dma_wait3A_123 = arith.constant 0 : i32
    %dma_wait3A_124 = arith.constant 0 : i32
    %dma_wait3A_125 = tpu.memref_slice %arg4[%arg1, %dma_wait3A_120, %dma_wait3A_123, %dma_wait3A_124] : memref<16x3x16x2048xf32, #tpu.memory_space<vmem_shared>> -> memref<1x1x16x2048xf32, #tpu.memory_space<vmem_shared>>
    %dma_wait3A_126 = tpu.memref_squeeze %dma_wait3A_125 : memref<1x1x16x2048xf32, #tpu.memory_space<vmem_shared>> -> memref<16x2048xf32, #tpu.memory_space<vmem_shared>>
    tpu.wait_dma2 semaphore(%arg9 : memref<!tpu.dma_semaphore, #tpu.memory_space<semaphore_mem>>) src(%dma_wait3A_126 : memref<16x2048xf32, #tpu.memory_space<vmem_shared>>) dst(%dma_wait3A_122 : memref<16x2048xf32, #tpu.memory_space<hbm>>)
    %add3A_127 = arith.constant 64 : i32
    %add3A_128 = arith.addi %mul3A_2, %add3A_127 : i32
    %dma_start3A_129 = arith.constant 1 : i32
    %dma_start3A_130 = arith.constant 0 : i32
    %dma_start3A_131 = arith.constant 0 : i32
    %dma_start3A_132 = tpu.memref_slice %arg4[%arg1, %dma_start3A_129, %dma_start3A_130, %dma_start3A_131] : memref<16x3x16x2048xf32, #tpu.memory_space<vmem_shared>> -> memref<1x1x16x2048xf32, #tpu.memory_space<vmem_shared>>
    %dma_start3A_133 = tpu.memref_squeeze %dma_start3A_132 : memref<1x1x16x2048xf32, #tpu.memory_space<vmem_shared>> -> memref<16x2048xf32, #tpu.memory_space<vmem_shared>>
    %dma_start3A_134 = arith.constant 0 : i32
    %dma_start3A_135 = tpu.memref_slice %arg2[%add3A_128, %dma_start3A_134] : memref<8192x2048xf32, #tpu.memory_space<hbm>> -> memref<16x2048xf32, #tpu.memory_space<hbm>>
    tpu.enqueue_dma source(%dma_start3A_135 : memref<16x2048xf32, #tpu.memory_space<hbm>>) target(%dma_start3A_133 : memref<16x2048xf32, #tpu.memory_space<vmem_shared>>) target_semaphore(%arg6 : memref<!tpu.dma_semaphore, #tpu.memory_space<semaphore_mem>>)
    %add3A_136 = arith.constant 64 : i32
    %add3A_137 = arith.addi %mul3A_2, %add3A_136 : i32
    %dma_wait3A_138 = arith.constant 1 : i32
    %dma_wait3A_139 = arith.constant 0 : i32
    %dma_wait3A_140 = arith.constant 0 : i32
    %dma_wait3A_141 = tpu.memref_slice %arg4[%arg1, %dma_wait3A_138, %dma_wait3A_139, %dma_wait3A_140] : memref<16x3x16x2048xf32, #tpu.memory_space<vmem_shared>> -> memref<1x1x16x2048xf32, #tpu.memory_space<vmem_shared>>
    %dma_wait3A_142 = tpu.memref_squeeze %dma_wait3A_141 : memref<1x1x16x2048xf32, #tpu.memory_space<vmem_shared>> -> memref<16x2048xf32, #tpu.memory_space<vmem_shared>>
    %dma_wait3A_143 = arith.constant 0 : i32
    %dma_wait3A_144 = tpu.memref_slice %arg2[%add3A_137, %dma_wait3A_143] : memref<8192x2048xf32, #tpu.memory_space<hbm>> -> memref<16x2048xf32, #tpu.memory_space<hbm>>
    tpu.wait_dma2 semaphore(%arg6 : memref<!tpu.dma_semaphore, #tpu.memory_space<semaphore_mem>>) src(%dma_wait3A_144 : memref<16x2048xf32, #tpu.memory_space<hbm>>) dst(%dma_wait3A_142 : memref<16x2048xf32, #tpu.memory_space<vmem_shared>>)
    %add3A_145 = arith.constant 64 : i32
    %add3A_146 = arith.addi %mul3A_2, %add3A_145 : i32
    %dma_start3A_147 = arith.constant 1 : i32
    %dma_start3A_148 = arith.constant 0 : i32
    %dma_start3A_149 = tpu.memref_slice %arg3[%add3A_146, %dma_start3A_148] : memref<8192x2048xf32, #tpu.memory_space<hbm>> -> memref<16x2048xf32, #tpu.memory_space<hbm>>
    %dma_start3A_150 = arith.constant 0 : i32
    %dma_start3A_151 = arith.constant 0 : i32
    %dma_start3A_152 = tpu.memref_slice %arg4[%arg1, %dma_start3A_147, %dma_start3A_150, %dma_start3A_151] : memref<16x3x16x2048xf32, #tpu.memory_space<vmem_shared>> -> memref<1x1x16x2048xf32, #tpu.memory_space<vmem_shared>>
    %dma_start3A_153 = tpu.memref_squeeze %dma_start3A_152 : memref<1x1x16x2048xf32, #tpu.memory_space<vmem_shared>> -> memref<16x2048xf32, #tpu.memory_space<vmem_shared>>
    tpu.enqueue_dma source(%dma_start3A_153 : memref<16x2048xf32, #tpu.memory_space<vmem_shared>>) target(%dma_start3A_149 : memref<16x2048xf32, #tpu.memory_space<hbm>>) target_semaphore(%arg9 : memref<!tpu.dma_semaphore, #tpu.memory_space<semaphore_mem>>)
    %add3A_154 = arith.constant 32 : i32
    %add3A_155 = arith.addi %mul3A_2, %add3A_154 : i32
    %dma_wait3A_156 = arith.constant 2 : i32
    %dma_wait3A_157 = arith.constant 0 : i32
    %dma_wait3A_158 = tpu.memref_slice %arg3[%add3A_155, %dma_wait3A_157] : memref<8192x2048xf32, #tpu.memory_space<hbm>> -> memref<16x2048xf32, #tpu.memory_space<hbm>>
    %dma_wait3A_159 = arith.constant 0 : i32
    %dma_wait3A_160 = arith.constant 0 : i32
    %dma_wait3A_161 = tpu.memref_slice %arg4[%arg1, %dma_wait3A_156, %dma_wait3A_159, %dma_wait3A_160] : memref<16x3x16x2048xf32, #tpu.memory_space<vmem_shared>> -> memref<1x1x16x2048xf32, #tpu.memory_space<vmem_shared>>
    %dma_wait3A_162 = tpu.memref_squeeze %dma_wait3A_161 : memref<1x1x16x2048xf32, #tpu.memory_space<vmem_shared>> -> memref<16x2048xf32, #tpu.memory_space<vmem_shared>>
    tpu.wait_dma2 semaphore(%arg10 : memref<!tpu.dma_semaphore, #tpu.memory_space<semaphore_mem>>) src(%dma_wait3A_162 : memref<16x2048xf32, #tpu.memory_space<vmem_shared>>) dst(%dma_wait3A_158 : memref<16x2048xf32, #tpu.memory_space<hbm>>)
    %add3A_163 = arith.constant 80 : i32
    %add3A_164 = arith.addi %mul3A_2, %add3A_163 : i32
    %dma_start3A_165 = arith.constant 2 : i32
    %dma_start3A_166 = arith.constant 0 : i32
    %dma_start3A_167 = arith.constant 0 : i32
    %dma_start3A_168 = tpu.memref_slice %arg4[%arg1, %dma_start3A_165, %dma_start3A_166, %dma_start3A_167] : memref<16x3x16x2048xf32, #tpu.memory_space<vmem_shared>> -> memref<1x1x16x2048xf32, #tpu.memory_space<vmem_shared>>
    %dma_start3A_169 = tpu.memref_squeeze %dma_start3A_168 : memref<1x1x16x2048xf32, #tpu.memory_space<vmem_shared>> -> memref<16x2048xf32, #tpu.memory_space<vmem_shared>>
    %dma_start3A_170 = arith.constant 0 : i32
    %dma_start3A_171 = tpu.memref_slice %arg2[%add3A_164, %dma_start3A_170] : memref<8192x2048xf32, #tpu.memory_space<hbm>> -> memref<16x2048xf32, #tpu.memory_space<hbm>>
    tpu.enqueue_dma source(%dma_start3A_171 : memref<16x2048xf32, #tpu.memory_space<hbm>>) target(%dma_start3A_169 : memref<16x2048xf32, #tpu.memory_space<vmem_shared>>) target_semaphore(%arg7 : memref<!tpu.dma_semaphore, #tpu.memory_space<semaphore_mem>>)
    %add3A_172 = arith.constant 80 : i32
    %add3A_173 = arith.addi %mul3A_2, %add3A_172 : i32
    %dma_wait3A_174 = arith.constant 2 : i32
    %dma_wait3A_175 = arith.constant 0 : i32
    %dma_wait3A_176 = arith.constant 0 : i32
    %dma_wait3A_177 = tpu.memref_slice %arg4[%arg1, %dma_wait3A_174, %dma_wait3A_175, %dma_wait3A_176] : memref<16x3x16x2048xf32, #tpu.memory_space<vmem_shared>> -> memref<1x1x16x2048xf32, #tpu.memory_space<vmem_shared>>
    %dma_wait3A_178 = tpu.memref_squeeze %dma_wait3A_177 : memref<1x1x16x2048xf32, #tpu.memory_space<vmem_shared>> -> memref<16x2048xf32, #tpu.memory_space<vmem_shared>>
    %dma_wait3A_179 = arith.constant 0 : i32
    %dma_wait3A_180 = tpu.memref_slice %arg2[%add3A_173, %dma_wait3A_179] : memref<8192x2048xf32, #tpu.memory_space<hbm>> -> memref<16x2048xf32, #tpu.memory_space<hbm>>
    tpu.wait_dma2 semaphore(%arg7 : memref<!tpu.dma_semaphore, #tpu.memory_space<semaphore_mem>>) src(%dma_wait3A_180 : memref<16x2048xf32, #tpu.memory_space<hbm>>) dst(%dma_wait3A_178 : memref<16x2048xf32, #tpu.memory_space<vmem_shared>>)
    %add3A_181 = arith.constant 80 : i32
    %add3A_182 = arith.addi %mul3A_2, %add3A_181 : i32
    %dma_start3A_183 = arith.constant 2 : i32
    %dma_start3A_184 = arith.constant 0 : i32
    %dma_start3A_185 = tpu.memref_slice %arg3[%add3A_182, %dma_start3A_184] : memref<8192x2048xf32, #tpu.memory_space<hbm>> -> memref<16x2048xf32, #tpu.memory_space<hbm>>
    %dma_start3A_186 = arith.constant 0 : i32
    %dma_start3A_187 = arith.constant 0 : i32
    %dma_start3A_188 = tpu.memref_slice %arg4[%arg1, %dma_start3A_183, %dma_start3A_186, %dma_start3A_187] : memref<16x3x16x2048xf32, #tpu.memory_space<vmem_shared>> -> memref<1x1x16x2048xf32, #tpu.memory_space<vmem_shared>>
    %dma_start3A_189 = tpu.memref_squeeze %dma_start3A_188 : memref<1x1x16x2048xf32, #tpu.memory_space<vmem_shared>> -> memref<16x2048xf32, #tpu.memory_space<vmem_shared>>
    tpu.enqueue_dma source(%dma_start3A_189 : memref<16x2048xf32, #tpu.memory_space<vmem_shared>>) target(%dma_start3A_185 : memref<16x2048xf32, #tpu.memory_space<hbm>>) target_semaphore(%arg10 : memref<!tpu.dma_semaphore, #tpu.memory_space<semaphore_mem>>)
    %add3A_190 = arith.constant 48 : i32
    %add3A_191 = arith.addi %mul3A_2, %add3A_190 : i32
    %dma_wait3A_192 = arith.constant 0 : i32
    %dma_wait3A_193 = arith.constant 0 : i32
    %dma_wait3A_194 = tpu.memref_slice %arg3[%add3A_191, %dma_wait3A_193] : memref<8192x2048xf32, #tpu.memory_space<hbm>> -> memref<16x2048xf32, #tpu.memory_space<hbm>>
    %dma_wait3A_195 = arith.constant 0 : i32
    %dma_wait3A_196 = arith.constant 0 : i32
    %dma_wait3A_197 = tpu.memref_slice %arg4[%arg1, %dma_wait3A_192, %dma_wait3A_195, %dma_wait3A_196] : memref<16x3x16x2048xf32, #tpu.memory_space<vmem_shared>> -> memref<1x1x16x2048xf32, #tpu.memory_space<vmem_shared>>
    %dma_wait3A_198 = tpu.memref_squeeze %dma_wait3A_197 : memref<1x1x16x2048xf32, #tpu.memory_space<vmem_shared>> -> memref<16x2048xf32, #tpu.memory_space<vmem_shared>>
    tpu.wait_dma2 semaphore(%arg8 : memref<!tpu.dma_semaphore, #tpu.memory_space<semaphore_mem>>) src(%dma_wait3A_198 : memref<16x2048xf32, #tpu.memory_space<vmem_shared>>) dst(%dma_wait3A_194 : memref<16x2048xf32, #tpu.memory_space<hbm>>)
    %add3A_199 = arith.constant 96 : i32
    %add3A_200 = arith.addi %mul3A_2, %add3A_199 : i32
    %dma_start3A_201 = arith.constant 0 : i32
    %dma_start3A_202 = arith.constant 0 : i32
    %dma_start3A_203 = arith.constant 0 : i32
    %dma_start3A_204 = tpu.memref_slice %arg4[%arg1, %dma_start3A_201, %dma_start3A_202, %dma_start3A_203] : memref<16x3x16x2048xf32, #tpu.memory_space<vmem_shared>> -> memref<1x1x16x2048xf32, #tpu.memory_space<vmem_shared>>
    %dma_start3A_205 = tpu.memref_squeeze %dma_start3A_204 : memref<1x1x16x2048xf32, #tpu.memory_space<vmem_shared>> -> memref<16x2048xf32, #tpu.memory_space<vmem_shared>>
    %dma_start3A_206 = arith.constant 0 : i32
    %dma_start3A_207 = tpu.memref_slice %arg2[%add3A_200, %dma_start3A_206] : memref<8192x2048xf32, #tpu.memory_space<hbm>> -> memref<16x2048xf32, #tpu.memory_space<hbm>>
    tpu.enqueue_dma source(%dma_start3A_207 : memref<16x2048xf32, #tpu.memory_space<hbm>>) target(%dma_start3A_205 : memref<16x2048xf32, #tpu.memory_space<vmem_shared>>) target_semaphore(%arg5 : memref<!tpu.dma_semaphore, #tpu.memory_space<semaphore_mem>>)
    %add3A_208 = arith.constant 96 : i32
    %add3A_209 = arith.addi %mul3A_2, %add3A_208 : i32
    %dma_wait3A_210 = arith.constant 0 : i32
    %dma_wait3A_211 = arith.constant 0 : i32
    %dma_wait3A_212 = arith.constant 0 : i32
    %dma_wait3A_213 = tpu.memref_slice %arg4[%arg1, %dma_wait3A_210, %dma_wait3A_211, %dma_wait3A_212] : memref<16x3x16x2048xf32, #tpu.memory_space<vmem_shared>> -> memref<1x1x16x2048xf32, #tpu.memory_space<vmem_shared>>
    %dma_wait3A_214 = tpu.memref_squeeze %dma_wait3A_213 : memref<1x1x16x2048xf32, #tpu.memory_space<vmem_shared>> -> memref<16x2048xf32, #tpu.memory_space<vmem_shared>>
    %dma_wait3A_215 = arith.constant 0 : i32
    %dma_wait3A_216 = tpu.memref_slice %arg2[%add3A_209, %dma_wait3A_215] : memref<8192x2048xf32, #tpu.memory_space<hbm>> -> memref<16x2048xf32, #tpu.memory_space<hbm>>
    tpu.wait_dma2 semaphore(%arg5 : memref<!tpu.dma_semaphore, #tpu.memory_space<semaphore_mem>>) src(%dma_wait3A_216 : memref<16x2048xf32, #tpu.memory_space<hbm>>) dst(%dma_wait3A_214 : memref<16x2048xf32, #tpu.memory_space<vmem_shared>>)
    %add3A_217 = arith.constant 96 : i32
    %add3A_218 = arith.addi %mul3A_2, %add3A_217 : i32
    %dma_start3A_219 = arith.constant 0 : i32
    %dma_start3A_220 = arith.constant 0 : i32
    %dma_start3A_221 = tpu.memref_slice %arg3[%add3A_218, %dma_start3A_220] : memref<8192x2048xf32, #tpu.memory_space<hbm>> -> memref<16x2048xf32, #tpu.memory_space<hbm>>
    %dma_start3A_222 = arith.constant 0 : i32
    %dma_start3A_223 = arith.constant 0 : i32
    %dma_start3A_224 = tpu.memref_slice %arg4[%arg1, %dma_start3A_219, %dma_start3A_222, %dma_start3A_223] : memref<16x3x16x2048xf32, #tpu.memory_space<vmem_shared>> -> memref<1x1x16x2048xf32, #tpu.memory_space<vmem_shared>>
    %dma_start3A_225 = tpu.memref_squeeze %dma_start3A_224 : memref<1x1x16x2048xf32, #tpu.memory_space<vmem_shared>> -> memref<16x2048xf32, #tpu.memory_space<vmem_shared>>
    tpu.enqueue_dma source(%dma_start3A_225 : memref<16x2048xf32, #tpu.memory_space<vmem_shared>>) target(%dma_start3A_221 : memref<16x2048xf32, #tpu.memory_space<hbm>>) target_semaphore(%arg8 : memref<!tpu.dma_semaphore, #tpu.memory_space<semaphore_mem>>)
    %add3A_226 = arith.constant 64 : i32
    %add3A_227 = arith.addi %mul3A_2, %add3A_226 : i32
    %dma_wait3A_228 = arith.constant 1 : i32
    %dma_wait3A_229 = arith.constant 0 : i32
    %dma_wait3A_230 = tpu.memref_slice %arg3[%add3A_227, %dma_wait3A_229] : memref<8192x2048xf32, #tpu.memory_space<hbm>> -> memref<16x2048xf32, #tpu.memory_space<hbm>>
    %dma_wait3A_231 = arith.constant 0 : i32
    %dma_wait3A_232 = arith.constant 0 : i32
    %dma_wait3A_233 = tpu.memref_slice %arg4[%arg1, %dma_wait3A_228, %dma_wait3A_231, %dma_wait3A_232] : memref<16x3x16x2048xf32, #tpu.memory_space<vmem_shared>> -> memref<1x1x16x2048xf32, #tpu.memory_space<vmem_shared>>
    %dma_wait3A_234 = tpu.memref_squeeze %dma_wait3A_233 : memref<1x1x16x2048xf32, #tpu.memory_space<vmem_shared>> -> memref<16x2048xf32, #tpu.memory_space<vmem_shared>>
    tpu.wait_dma2 semaphore(%arg9 : memref<!tpu.dma_semaphore, #tpu.memory_space<semaphore_mem>>) src(%dma_wait3A_234 : memref<16x2048xf32, #tpu.memory_space<vmem_shared>>) dst(%dma_wait3A_230 : memref<16x2048xf32, #tpu.memory_space<hbm>>)
    %add3A_235 = arith.constant 112 : i32
    %add3A_236 = arith.addi %mul3A_2, %add3A_235 : i32
    %dma_start3A_237 = arith.constant 1 : i32
    %dma_start3A_238 = arith.constant 0 : i32
    %dma_start3A_239 = arith.constant 0 : i32
    %dma_start3A_240 = tpu.memref_slice %arg4[%arg1, %dma_start3A_237, %dma_start3A_238, %dma_start3A_239] : memref<16x3x16x2048xf32, #tpu.memory_space<vmem_shared>> -> memref<1x1x16x2048xf32, #tpu.memory_space<vmem_shared>>
    %dma_start3A_241 = tpu.memref_squeeze %dma_start3A_240 : memref<1x1x16x2048xf32, #tpu.memory_space<vmem_shared>> -> memref<16x2048xf32, #tpu.memory_space<vmem_shared>>
    %dma_start3A_242 = arith.constant 0 : i32
    %dma_start3A_243 = tpu.memref_slice %arg2[%add3A_236, %dma_start3A_242] : memref<8192x2048xf32, #tpu.memory_space<hbm>> -> memref<16x2048xf32, #tpu.memory_space<hbm>>
    tpu.enqueue_dma source(%dma_start3A_243 : memref<16x2048xf32, #tpu.memory_space<hbm>>) target(%dma_start3A_241 : memref<16x2048xf32, #tpu.memory_space<vmem_shared>>) target_semaphore(%arg6 : memref<!tpu.dma_semaphore, #tpu.memory_space<semaphore_mem>>)
    %add3A_244 = arith.constant 112 : i32
    %add3A_245 = arith.addi %mul3A_2, %add3A_244 : i32
    %dma_wait3A_246 = arith.constant 1 : i32
    %dma_wait3A_247 = arith.constant 0 : i32
    %dma_wait3A_248 = arith.constant 0 : i32
    %dma_wait3A_249 = tpu.memref_slice %arg4[%arg1, %dma_wait3A_246, %dma_wait3A_247, %dma_wait3A_248] : memref<16x3x16x2048xf32, #tpu.memory_space<vmem_shared>> -> memref<1x1x16x2048xf32, #tpu.memory_space<vmem_shared>>
    %dma_wait3A_250 = tpu.memref_squeeze %dma_wait3A_249 : memref<1x1x16x2048xf32, #tpu.memory_space<vmem_shared>> -> memref<16x2048xf32, #tpu.memory_space<vmem_shared>>
    %dma_wait3A_251 = arith.constant 0 : i32
    %dma_wait3A_252 = tpu.memref_slice %arg2[%add3A_245, %dma_wait3A_251] : memref<8192x2048xf32, #tpu.memory_space<hbm>> -> memref<16x2048xf32, #tpu.memory_space<hbm>>
    tpu.wait_dma2 semaphore(%arg6 : memref<!tpu.dma_semaphore, #tpu.memory_space<semaphore_mem>>) src(%dma_wait3A_252 : memref<16x2048xf32, #tpu.memory_space<hbm>>) dst(%dma_wait3A_250 : memref<16x2048xf32, #tpu.memory_space<vmem_shared>>)
    %add3A_253 = arith.constant 112 : i32
    %add3A_254 = arith.addi %mul3A_2, %add3A_253 : i32
    %dma_start3A_255 = arith.constant 1 : i32
    %dma_start3A_256 = arith.constant 0 : i32
    %dma_start3A_257 = tpu.memref_slice %arg3[%add3A_254, %dma_start3A_256] : memref<8192x2048xf32, #tpu.memory_space<hbm>> -> memref<16x2048xf32, #tpu.memory_space<hbm>>
    %dma_start3A_258 = arith.constant 0 : i32
    %dma_start3A_259 = arith.constant 0 : i32
    %dma_start3A_260 = tpu.memref_slice %arg4[%arg1, %dma_start3A_255, %dma_start3A_258, %dma_start3A_259] : memref<16x3x16x2048xf32, #tpu.memory_space<vmem_shared>> -> memref<1x1x16x2048xf32, #tpu.memory_space<vmem_shared>>
    %dma_start3A_261 = tpu.memref_squeeze %dma_start3A_260 : memref<1x1x16x2048xf32, #tpu.memory_space<vmem_shared>> -> memref<16x2048xf32, #tpu.memory_space<vmem_shared>>
    tpu.enqueue_dma source(%dma_start3A_261 : memref<16x2048xf32, #tpu.memory_space<vmem_shared>>) target(%dma_start3A_257 : memref<16x2048xf32, #tpu.memory_space<hbm>>) target_semaphore(%arg9 : memref<!tpu.dma_semaphore, #tpu.memory_space<semaphore_mem>>)
    %add3A_262 = arith.constant 80 : i32
    %add3A_263 = arith.addi %mul3A_2, %add3A_262 : i32
    %dma_wait3A_264 = arith.constant 2 : i32
    %dma_wait3A_265 = arith.constant 0 : i32
    %dma_wait3A_266 = tpu.memref_slice %arg3[%add3A_263, %dma_wait3A_265] : memref<8192x2048xf32, #tpu.memory_space<hbm>> -> memref<16x2048xf32, #tpu.memory_space<hbm>>
    %dma_wait3A_267 = arith.constant 0 : i32
    %dma_wait3A_268 = arith.constant 0 : i32
    %dma_wait3A_269 = tpu.memref_slice %arg4[%arg1, %dma_wait3A_264, %dma_wait3A_267, %dma_wait3A_268] : memref<16x3x16x2048xf32, #tpu.memory_space<vmem_shared>> -> memref<1x1x16x2048xf32, #tpu.memory_space<vmem_shared>>
    %dma_wait3A_270 = tpu.memref_squeeze %dma_wait3A_269 : memref<1x1x16x2048xf32, #tpu.memory_space<vmem_shared>> -> memref<16x2048xf32, #tpu.memory_space<vmem_shared>>
    tpu.wait_dma2 semaphore(%arg10 : memref<!tpu.dma_semaphore, #tpu.memory_space<semaphore_mem>>) src(%dma_wait3A_270 : memref<16x2048xf32, #tpu.memory_space<vmem_shared>>) dst(%dma_wait3A_266 : memref<16x2048xf32, #tpu.memory_space<hbm>>)
    %add3A_271 = arith.constant 128 : i32
    %add3A_272 = arith.addi %mul3A_2, %add3A_271 : i32
    %dma_start3A_273 = arith.constant 2 : i32
    %dma_start3A_274 = arith.constant 0 : i32
    %dma_start3A_275 = arith.constant 0 : i32
    %dma_start3A_276 = tpu.memref_slice %arg4[%arg1, %dma_start3A_273, %dma_start3A_274, %dma_start3A_275] : memref<16x3x16x2048xf32, #tpu.memory_space<vmem_shared>> -> memref<1x1x16x2048xf32, #tpu.memory_space<vmem_shared>>
    %dma_start3A_277 = tpu.memref_squeeze %dma_start3A_276 : memref<1x1x16x2048xf32, #tpu.memory_space<vmem_shared>> -> memref<16x2048xf32, #tpu.memory_space<vmem_shared>>
    %dma_start3A_278 = arith.constant 0 : i32
    %dma_start3A_279 = tpu.memref_slice %arg2[%add3A_272, %dma_start3A_278] : memref<8192x2048xf32, #tpu.memory_space<hbm>> -> memref<16x2048xf32, #tpu.memory_space<hbm>>
    tpu.enqueue_dma source(%dma_start3A_279 : memref<16x2048xf32, #tpu.memory_space<hbm>>) target(%dma_start3A_277 : memref<16x2048xf32, #tpu.memory_space<vmem_shared>>) target_semaphore(%arg7 : memref<!tpu.dma_semaphore, #tpu.memory_space<semaphore_mem>>)
    %add3A_280 = arith.constant 128 : i32
    %add3A_281 = arith.addi %mul3A_2, %add3A_280 : i32
    %dma_wait3A_282 = arith.constant 2 : i32
    %dma_wait3A_283 = arith.constant 0 : i32
    %dma_wait3A_284 = arith.constant 0 : i32
    %dma_wait3A_285 = tpu.memref_slice %arg4[%arg1, %dma_wait3A_282, %dma_wait3A_283, %dma_wait3A_284] : memref<16x3x16x2048xf32, #tpu.memory_space<vmem_shared>> -> memref<1x1x16x2048xf32, #tpu.memory_space<vmem_shared>>
    %dma_wait3A_286 = tpu.memref_squeeze %dma_wait3A_285 : memref<1x1x16x2048xf32, #tpu.memory_space<vmem_shared>> -> memref<16x2048xf32, #tpu.memory_space<vmem_shared>>
    %dma_wait3A_287 = arith.constant 0 : i32
    %dma_wait3A_288 = tpu.memref_slice %arg2[%add3A_281, %dma_wait3A_287] : memref<8192x2048xf32, #tpu.memory_space<hbm>> -> memref<16x2048xf32, #tpu.memory_space<hbm>>
    tpu.wait_dma2 semaphore(%arg7 : memref<!tpu.dma_semaphore, #tpu.memory_space<semaphore_mem>>) src(%dma_wait3A_288 : memref<16x2048xf32, #tpu.memory_space<hbm>>) dst(%dma_wait3A_286 : memref<16x2048xf32, #tpu.memory_space<vmem_shared>>)
    %add3A_289 = arith.constant 128 : i32
    %add3A_290 = arith.addi %mul3A_2, %add3A_289 : i32
    %dma_start3A_291 = arith.constant 2 : i32
    %dma_start3A_292 = arith.constant 0 : i32
    %dma_start3A_293 = tpu.memref_slice %arg3[%add3A_290, %dma_start3A_292] : memref<8192x2048xf32, #tpu.memory_space<hbm>> -> memref<16x2048xf32, #tpu.memory_space<hbm>>
    %dma_start3A_294 = arith.constant 0 : i32
    %dma_start3A_295 = arith.constant 0 : i32
    %dma_start3A_296 = tpu.memref_slice %arg4[%arg1, %dma_start3A_291, %dma_start3A_294, %dma_start3A_295] : memref<16x3x16x2048xf32, #tpu.memory_space<vmem_shared>> -> memref<1x1x16x2048xf32, #tpu.memory_space<vmem_shared>>
    %dma_start3A_297 = tpu.memref_squeeze %dma_start3A_296 : memref<1x1x16x2048xf32, #tpu.memory_space<vmem_shared>> -> memref<16x2048xf32, #tpu.memory_space<vmem_shared>>
    tpu.enqueue_dma source(%dma_start3A_297 : memref<16x2048xf32, #tpu.memory_space<vmem_shared>>) target(%dma_start3A_293 : memref<16x2048xf32, #tpu.memory_space<hbm>>) target_semaphore(%arg10 : memref<!tpu.dma_semaphore, #tpu.memory_space<semaphore_mem>>)
    %add3A_298 = arith.constant 96 : i32
    %add3A_299 = arith.addi %mul3A_2, %add3A_298 : i32
    %dma_wait3A_300 = arith.constant 0 : i32
    %dma_wait3A_301 = arith.constant 0 : i32
    %dma_wait3A_302 = tpu.memref_slice %arg3[%add3A_299, %dma_wait3A_301] : memref<8192x2048xf32, #tpu.memory_space<hbm>> -> memref<16x2048xf32, #tpu.memory_space<hbm>>
    %dma_wait3A_303 = arith.constant 0 : i32
    %dma_wait3A_304 = arith.constant 0 : i32
    %dma_wait3A_305 = tpu.memref_slice %arg4[%arg1, %dma_wait3A_300, %dma_wait3A_303, %dma_wait3A_304] : memref<16x3x16x2048xf32, #tpu.memory_space<vmem_shared>> -> memref<1x1x16x2048xf32, #tpu.memory_space<vmem_shared>>
    %dma_wait3A_306 = tpu.memref_squeeze %dma_wait3A_305 : memref<1x1x16x2048xf32, #tpu.memory_space<vmem_shared>> -> memref<16x2048xf32, #tpu.memory_space<vmem_shared>>
    tpu.wait_dma2 semaphore(%arg8 : memref<!tpu.dma_semaphore, #tpu.memory_space<semaphore_mem>>) src(%dma_wait3A_306 : memref<16x2048xf32, #tpu.memory_space<vmem_shared>>) dst(%dma_wait3A_302 : memref<16x2048xf32, #tpu.memory_space<hbm>>)
    %add3A_307 = arith.constant 144 : i32
    %add3A_308 = arith.addi %mul3A_2, %add3A_307 : i32
    %dma_start3A_309 = arith.constant 0 : i32
    %dma_start3A_310 = arith.constant 0 : i32
    %dma_start3A_311 = arith.constant 0 : i32
    %dma_start3A_312 = tpu.memref_slice %arg4[%arg1, %dma_start3A_309, %dma_start3A_310, %dma_start3A_311] : memref<16x3x16x2048xf32, #tpu.memory_space<vmem_shared>> -> memref<1x1x16x2048xf32, #tpu.memory_space<vmem_shared>>
    %dma_start3A_313 = tpu.memref_squeeze %dma_start3A_312 : memref<1x1x16x2048xf32, #tpu.memory_space<vmem_shared>> -> memref<16x2048xf32, #tpu.memory_space<vmem_shared>>
    %dma_start3A_314 = arith.constant 0 : i32
    %dma_start3A_315 = tpu.memref_slice %arg2[%add3A_308, %dma_start3A_314] : memref<8192x2048xf32, #tpu.memory_space<hbm>> -> memref<16x2048xf32, #tpu.memory_space<hbm>>
    tpu.enqueue_dma source(%dma_start3A_315 : memref<16x2048xf32, #tpu.memory_space<hbm>>) target(%dma_start3A_313 : memref<16x2048xf32, #tpu.memory_space<vmem_shared>>) target_semaphore(%arg5 : memref<!tpu.dma_semaphore, #tpu.memory_space<semaphore_mem>>)
    %add3A_316 = arith.constant 144 : i32
    %add3A_317 = arith.addi %mul3A_2, %add3A_316 : i32
    %dma_wait3A_318 = arith.constant 0 : i32
    %dma_wait3A_319 = arith.constant 0 : i32
    %dma_wait3A_320 = arith.constant 0 : i32
    %dma_wait3A_321 = tpu.memref_slice %arg4[%arg1, %dma_wait3A_318, %dma_wait3A_319, %dma_wait3A_320] : memref<16x3x16x2048xf32, #tpu.memory_space<vmem_shared>> -> memref<1x1x16x2048xf32, #tpu.memory_space<vmem_shared>>
    %dma_wait3A_322 = tpu.memref_squeeze %dma_wait3A_321 : memref<1x1x16x2048xf32, #tpu.memory_space<vmem_shared>> -> memref<16x2048xf32, #tpu.memory_space<vmem_shared>>
    %dma_wait3A_323 = arith.constant 0 : i32
    %dma_wait3A_324 = tpu.memref_slice %arg2[%add3A_317, %dma_wait3A_323] : memref<8192x2048xf32, #tpu.memory_space<hbm>> -> memref<16x2048xf32, #tpu.memory_space<hbm>>
    tpu.wait_dma2 semaphore(%arg5 : memref<!tpu.dma_semaphore, #tpu.memory_space<semaphore_mem>>) src(%dma_wait3A_324 : memref<16x2048xf32, #tpu.memory_space<hbm>>) dst(%dma_wait3A_322 : memref<16x2048xf32, #tpu.memory_space<vmem_shared>>)
    %add3A_325 = arith.constant 144 : i32
    %add3A_326 = arith.addi %mul3A_2, %add3A_325 : i32
    %dma_start3A_327 = arith.constant 0 : i32
    %dma_start3A_328 = arith.constant 0 : i32
    %dma_start3A_329 = tpu.memref_slice %arg3[%add3A_326, %dma_start3A_328] : memref<8192x2048xf32, #tpu.memory_space<hbm>> -> memref<16x2048xf32, #tpu.memory_space<hbm>>
    %dma_start3A_330 = arith.constant 0 : i32
    %dma_start3A_331 = arith.constant 0 : i32
    %dma_start3A_332 = tpu.memref_slice %arg4[%arg1, %dma_start3A_327, %dma_start3A_330, %dma_start3A_331] : memref<16x3x16x2048xf32, #tpu.memory_space<vmem_shared>> -> memref<1x1x16x2048xf32, #tpu.memory_space<vmem_shared>>
    %dma_start3A_333 = tpu.memref_squeeze %dma_start3A_332 : memref<1x1x16x2048xf32, #tpu.memory_space<vmem_shared>> -> memref<16x2048xf32, #tpu.memory_space<vmem_shared>>
    tpu.enqueue_dma source(%dma_start3A_333 : memref<16x2048xf32, #tpu.memory_space<vmem_shared>>) target(%dma_start3A_329 : memref<16x2048xf32, #tpu.memory_space<hbm>>) target_semaphore(%arg8 : memref<!tpu.dma_semaphore, #tpu.memory_space<semaphore_mem>>)
    %add3A_334 = arith.constant 112 : i32
    %add3A_335 = arith.addi %mul3A_2, %add3A_334 : i32
    %dma_wait3A_336 = arith.constant 1 : i32
    %dma_wait3A_337 = arith.constant 0 : i32
    %dma_wait3A_338 = tpu.memref_slice %arg3[%add3A_335, %dma_wait3A_337] : memref<8192x2048xf32, #tpu.memory_space<hbm>> -> memref<16x2048xf32, #tpu.memory_space<hbm>>
    %dma_wait3A_339 = arith.constant 0 : i32
    %dma_wait3A_340 = arith.constant 0 : i32
    %dma_wait3A_341 = tpu.memref_slice %arg4[%arg1, %dma_wait3A_336, %dma_wait3A_339, %dma_wait3A_340] : memref<16x3x16x2048xf32, #tpu.memory_space<vmem_shared>> -> memref<1x1x16x2048xf32, #tpu.memory_space<vmem_shared>>
    %dma_wait3A_342 = tpu.memref_squeeze %dma_wait3A_341 : memref<1x1x16x2048xf32, #tpu.memory_space<vmem_shared>> -> memref<16x2048xf32, #tpu.memory_space<vmem_shared>>
    tpu.wait_dma2 semaphore(%arg9 : memref<!tpu.dma_semaphore, #tpu.memory_space<semaphore_mem>>) src(%dma_wait3A_342 : memref<16x2048xf32, #tpu.memory_space<vmem_shared>>) dst(%dma_wait3A_338 : memref<16x2048xf32, #tpu.memory_space<hbm>>)
    %add3A_343 = arith.constant 160 : i32
    %add3A_344 = arith.addi %mul3A_2, %add3A_343 : i32
    %dma_start3A_345 = arith.constant 1 : i32
    %dma_start3A_346 = arith.constant 0 : i32
    %dma_start3A_347 = arith.constant 0 : i32
    %dma_start3A_348 = tpu.memref_slice %arg4[%arg1, %dma_start3A_345, %dma_start3A_346, %dma_start3A_347] : memref<16x3x16x2048xf32, #tpu.memory_space<vmem_shared>> -> memref<1x1x16x2048xf32, #tpu.memory_space<vmem_shared>>
    %dma_start3A_349 = tpu.memref_squeeze %dma_start3A_348 : memref<1x1x16x2048xf32, #tpu.memory_space<vmem_shared>> -> memref<16x2048xf32, #tpu.memory_space<vmem_shared>>
    %dma_start3A_350 = arith.constant 0 : i32
    %dma_start3A_351 = tpu.memref_slice %arg2[%add3A_344, %dma_start3A_350] : memref<8192x2048xf32, #tpu.memory_space<hbm>> -> memref<16x2048xf32, #tpu.memory_space<hbm>>
    tpu.enqueue_dma source(%dma_start3A_351 : memref<16x2048xf32, #tpu.memory_space<hbm>>) target(%dma_start3A_349 : memref<16x2048xf32, #tpu.memory_space<vmem_shared>>) target_semaphore(%arg6 : memref<!tpu.dma_semaphore, #tpu.memory_space<semaphore_mem>>)
    %add3A_352 = arith.constant 160 : i32
    %add3A_353 = arith.addi %mul3A_2, %add3A_352 : i32
    %dma_wait3A_354 = arith.constant 1 : i32
    %dma_wait3A_355 = arith.constant 0 : i32
    %dma_wait3A_356 = arith.constant 0 : i32
    %dma_wait3A_357 = tpu.memref_slice %arg4[%arg1, %dma_wait3A_354, %dma_wait3A_355, %dma_wait3A_356] : memref<16x3x16x2048xf32, #tpu.memory_space<vmem_shared>> -> memref<1x1x16x2048xf32, #tpu.memory_space<vmem_shared>>
    %dma_wait3A_358 = tpu.memref_squeeze %dma_wait3A_357 : memref<1x1x16x2048xf32, #tpu.memory_space<vmem_shared>> -> memref<16x2048xf32, #tpu.memory_space<vmem_shared>>
    %dma_wait3A_359 = arith.constant 0 : i32
    %dma_wait3A_360 = tpu.memref_slice %arg2[%add3A_353, %dma_wait3A_359] : memref<8192x2048xf32, #tpu.memory_space<hbm>> -> memref<16x2048xf32, #tpu.memory_space<hbm>>
    tpu.wait_dma2 semaphore(%arg6 : memref<!tpu.dma_semaphore, #tpu.memory_space<semaphore_mem>>) src(%dma_wait3A_360 : memref<16x2048xf32, #tpu.memory_space<hbm>>) dst(%dma_wait3A_358 : memref<16x2048xf32, #tpu.memory_space<vmem_shared>>)
    %add3A_361 = arith.constant 160 : i32
    %add3A_362 = arith.addi %mul3A_2, %add3A_361 : i32
    %dma_start3A_363 = arith.constant 1 : i32
    %dma_start3A_364 = arith.constant 0 : i32
    %dma_start3A_365 = tpu.memref_slice %arg3[%add3A_362, %dma_start3A_364] : memref<8192x2048xf32, #tpu.memory_space<hbm>> -> memref<16x2048xf32, #tpu.memory_space<hbm>>
    %dma_start3A_366 = arith.constant 0 : i32
    %dma_start3A_367 = arith.constant 0 : i32
    %dma_start3A_368 = tpu.memref_slice %arg4[%arg1, %dma_start3A_363, %dma_start3A_366, %dma_start3A_367] : memref<16x3x16x2048xf32, #tpu.memory_space<vmem_shared>> -> memref<1x1x16x2048xf32, #tpu.memory_space<vmem_shared>>
    %dma_start3A_369 = tpu.memref_squeeze %dma_start3A_368 : memref<1x1x16x2048xf32, #tpu.memory_space<vmem_shared>> -> memref<16x2048xf32, #tpu.memory_space<vmem_shared>>
    tpu.enqueue_dma source(%dma_start3A_369 : memref<16x2048xf32, #tpu.memory_space<vmem_shared>>) target(%dma_start3A_365 : memref<16x2048xf32, #tpu.memory_space<hbm>>) target_semaphore(%arg9 : memref<!tpu.dma_semaphore, #tpu.memory_space<semaphore_mem>>)
    %add3A_370 = arith.constant 128 : i32
    %add3A_371 = arith.addi %mul3A_2, %add3A_370 : i32
    %dma_wait3A_372 = arith.constant 2 : i32
    %dma_wait3A_373 = arith.constant 0 : i32
    %dma_wait3A_374 = tpu.memref_slice %arg3[%add3A_371, %dma_wait3A_373] : memref<8192x2048xf32, #tpu.memory_space<hbm>> -> memref<16x2048xf32, #tpu.memory_space<hbm>>
    %dma_wait3A_375 = arith.constant 0 : i32
    %dma_wait3A_376 = arith.constant 0 : i32
    %dma_wait3A_377 = tpu.memref_slice %arg4[%arg1, %dma_wait3A_372, %dma_wait3A_375, %dma_wait3A_376] : memref<16x3x16x2048xf32, #tpu.memory_space<vmem_shared>> -> memref<1x1x16x2048xf32, #tpu.memory_space<vmem_shared>>
    %dma_wait3A_378 = tpu.memref_squeeze %dma_wait3A_377 : memref<1x1x16x2048xf32, #tpu.memory_space<vmem_shared>> -> memref<16x2048xf32, #tpu.memory_space<vmem_shared>>
    tpu.wait_dma2 semaphore(%arg10 : memref<!tpu.dma_semaphore, #tpu.memory_space<semaphore_mem>>) src(%dma_wait3A_378 : memref<16x2048xf32, #tpu.memory_space<vmem_shared>>) dst(%dma_wait3A_374 : memref<16x2048xf32, #tpu.memory_space<hbm>>)
    %add3A_379 = arith.constant 176 : i32
    %add3A_380 = arith.addi %mul3A_2, %add3A_379 : i32
    %dma_start3A_381 = arith.constant 2 : i32
    %dma_start3A_382 = arith.constant 0 : i32
    %dma_start3A_383 = arith.constant 0 : i32
    %dma_start3A_384 = tpu.memref_slice %arg4[%arg1, %dma_start3A_381, %dma_start3A_382, %dma_start3A_383] : memref<16x3x16x2048xf32, #tpu.memory_space<vmem_shared>> -> memref<1x1x16x2048xf32, #tpu.memory_space<vmem_shared>>
    %dma_start3A_385 = tpu.memref_squeeze %dma_start3A_384 : memref<1x1x16x2048xf32, #tpu.memory_space<vmem_shared>> -> memref<16x2048xf32, #tpu.memory_space<vmem_shared>>
    %dma_start3A_386 = arith.constant 0 : i32
    %dma_start3A_387 = tpu.memref_slice %arg2[%add3A_380, %dma_start3A_386] : memref<8192x2048xf32, #tpu.memory_space<hbm>> -> memref<16x2048xf32, #tpu.memory_space<hbm>>
    tpu.enqueue_dma source(%dma_start3A_387 : memref<16x2048xf32, #tpu.memory_space<hbm>>) target(%dma_start3A_385 : memref<16x2048xf32, #tpu.memory_space<vmem_shared>>) target_semaphore(%arg7 : memref<!tpu.dma_semaphore, #tpu.memory_space<semaphore_mem>>)
    %add3A_388 = arith.constant 176 : i32
    %add3A_389 = arith.addi %mul3A_2, %add3A_388 : i32
    %dma_wait3A_390 = arith.constant 2 : i32
    %dma_wait3A_391 = arith.constant 0 : i32
    %dma_wait3A_392 = arith.constant 0 : i32
    %dma_wait3A_393 = tpu.memref_slice %arg4[%arg1, %dma_wait3A_390, %dma_wait3A_391, %dma_wait3A_392] : memref<16x3x16x2048xf32, #tpu.memory_space<vmem_shared>> -> memref<1x1x16x2048xf32, #tpu.memory_space<vmem_shared>>
    %dma_wait3A_394 = tpu.memref_squeeze %dma_wait3A_393 : memref<1x1x16x2048xf32, #tpu.memory_space<vmem_shared>> -> memref<16x2048xf32, #tpu.memory_space<vmem_shared>>
    %dma_wait3A_395 = arith.constant 0 : i32
    %dma_wait3A_396 = tpu.memref_slice %arg2[%add3A_389, %dma_wait3A_395] : memref<8192x2048xf32, #tpu.memory_space<hbm>> -> memref<16x2048xf32, #tpu.memory_space<hbm>>
    tpu.wait_dma2 semaphore(%arg7 : memref<!tpu.dma_semaphore, #tpu.memory_space<semaphore_mem>>) src(%dma_wait3A_396 : memref<16x2048xf32, #tpu.memory_space<hbm>>) dst(%dma_wait3A_394 : memref<16x2048xf32, #tpu.memory_space<vmem_shared>>)
    %add3A_397 = arith.constant 176 : i32
    %add3A_398 = arith.addi %mul3A_2, %add3A_397 : i32
    %dma_start3A_399 = arith.constant 2 : i32
    %dma_start3A_400 = arith.constant 0 : i32
    %dma_start3A_401 = tpu.memref_slice %arg3[%add3A_398, %dma_start3A_400] : memref<8192x2048xf32, #tpu.memory_space<hbm>> -> memref<16x2048xf32, #tpu.memory_space<hbm>>
    %dma_start3A_402 = arith.constant 0 : i32
    %dma_start3A_403 = arith.constant 0 : i32
    %dma_start3A_404 = tpu.memref_slice %arg4[%arg1, %dma_start3A_399, %dma_start3A_402, %dma_start3A_403] : memref<16x3x16x2048xf32, #tpu.memory_space<vmem_shared>> -> memref<1x1x16x2048xf32, #tpu.memory_space<vmem_shared>>
    %dma_start3A_405 = tpu.memref_squeeze %dma_start3A_404 : memref<1x1x16x2048xf32, #tpu.memory_space<vmem_shared>> -> memref<16x2048xf32, #tpu.memory_space<vmem_shared>>
    tpu.enqueue_dma source(%dma_start3A_405 : memref<16x2048xf32, #tpu.memory_space<vmem_shared>>) target(%dma_start3A_401 : memref<16x2048xf32, #tpu.memory_space<hbm>>) target_semaphore(%arg10 : memref<!tpu.dma_semaphore, #tpu.memory_space<semaphore_mem>>)
    %add3A_406 = arith.constant 144 : i32
    %add3A_407 = arith.addi %mul3A_2, %add3A_406 : i32
    %dma_wait3A_408 = arith.constant 0 : i32
    %dma_wait3A_409 = arith.constant 0 : i32
    %dma_wait3A_410 = tpu.memref_slice %arg3[%add3A_407, %dma_wait3A_409] : memref<8192x2048xf32, #tpu.memory_space<hbm>> -> memref<16x2048xf32, #tpu.memory_space<hbm>>
    %dma_wait3A_411 = arith.constant 0 : i32
    %dma_wait3A_412 = arith.constant 0 : i32
    %dma_wait3A_413 = tpu.memref_slice %arg4[%arg1, %dma_wait3A_408, %dma_wait3A_411, %dma_wait3A_412] : memref<16x3x16x2048xf32, #tpu.memory_space<vmem_shared>> -> memref<1x1x16x2048xf32, #tpu.memory_space<vmem_shared>>
    %dma_wait3A_414 = tpu.memref_squeeze %dma_wait3A_413 : memref<1x1x16x2048xf32, #tpu.memory_space<vmem_shared>> -> memref<16x2048xf32, #tpu.memory_space<vmem_shared>>
    tpu.wait_dma2 semaphore(%arg8 : memref<!tpu.dma_semaphore, #tpu.memory_space<semaphore_mem>>) src(%dma_wait3A_414 : memref<16x2048xf32, #tpu.memory_space<vmem_shared>>) dst(%dma_wait3A_410 : memref<16x2048xf32, #tpu.memory_space<hbm>>)
    %add3A_415 = arith.constant 192 : i32
    %add3A_416 = arith.addi %mul3A_2, %add3A_415 : i32
    %dma_start3A_417 = arith.constant 0 : i32
    %dma_start3A_418 = arith.constant 0 : i32
    %dma_start3A_419 = arith.constant 0 : i32
    %dma_start3A_420 = tpu.memref_slice %arg4[%arg1, %dma_start3A_417, %dma_start3A_418, %dma_start3A_419] : memref<16x3x16x2048xf32, #tpu.memory_space<vmem_shared>> -> memref<1x1x16x2048xf32, #tpu.memory_space<vmem_shared>>
    %dma_start3A_421 = tpu.memref_squeeze %dma_start3A_420 : memref<1x1x16x2048xf32, #tpu.memory_space<vmem_shared>> -> memref<16x2048xf32, #tpu.memory_space<vmem_shared>>
    %dma_start3A_422 = arith.constant 0 : i32
    %dma_start3A_423 = tpu.memref_slice %arg2[%add3A_416, %dma_start3A_422] : memref<8192x2048xf32, #tpu.memory_space<hbm>> -> memref<16x2048xf32, #tpu.memory_space<hbm>>
    tpu.enqueue_dma source(%dma_start3A_423 : memref<16x2048xf32, #tpu.memory_space<hbm>>) target(%dma_start3A_421 : memref<16x2048xf32, #tpu.memory_space<vmem_shared>>) target_semaphore(%arg5 : memref<!tpu.dma_semaphore, #tpu.memory_space<semaphore_mem>>)
    %add3A_424 = arith.constant 192 : i32
    %add3A_425 = arith.addi %mul3A_2, %add3A_424 : i32
    %dma_wait3A_426 = arith.constant 0 : i32
    %dma_wait3A_427 = arith.constant 0 : i32
    %dma_wait3A_428 = arith.constant 0 : i32
    %dma_wait3A_429 = tpu.memref_slice %arg4[%arg1, %dma_wait3A_426, %dma_wait3A_427, %dma_wait3A_428] : memref<16x3x16x2048xf32, #tpu.memory_space<vmem_shared>> -> memref<1x1x16x2048xf32, #tpu.memory_space<vmem_shared>>
    %dma_wait3A_430 = tpu.memref_squeeze %dma_wait3A_429 : memref<1x1x16x2048xf32, #tpu.memory_space<vmem_shared>> -> memref<16x2048xf32, #tpu.memory_space<vmem_shared>>
    %dma_wait3A_431 = arith.constant 0 : i32
    %dma_wait3A_432 = tpu.memref_slice %arg2[%add3A_425, %dma_wait3A_431] : memref<8192x2048xf32, #tpu.memory_space<hbm>> -> memref<16x2048xf32, #tpu.memory_space<hbm>>
    tpu.wait_dma2 semaphore(%arg5 : memref<!tpu.dma_semaphore, #tpu.memory_space<semaphore_mem>>) src(%dma_wait3A_432 : memref<16x2048xf32, #tpu.memory_space<hbm>>) dst(%dma_wait3A_430 : memref<16x2048xf32, #tpu.memory_space<vmem_shared>>)
    %add3A_433 = arith.constant 192 : i32
    %add3A_434 = arith.addi %mul3A_2, %add3A_433 : i32
    %dma_start3A_435 = arith.constant 0 : i32
    %dma_start3A_436 = arith.constant 0 : i32
    %dma_start3A_437 = tpu.memref_slice %arg3[%add3A_434, %dma_start3A_436] : memref<8192x2048xf32, #tpu.memory_space<hbm>> -> memref<16x2048xf32, #tpu.memory_space<hbm>>
    %dma_start3A_438 = arith.constant 0 : i32
    %dma_start3A_439 = arith.constant 0 : i32
    %dma_start3A_440 = tpu.memref_slice %arg4[%arg1, %dma_start3A_435, %dma_start3A_438, %dma_start3A_439] : memref<16x3x16x2048xf32, #tpu.memory_space<vmem_shared>> -> memref<1x1x16x2048xf32, #tpu.memory_space<vmem_shared>>
    %dma_start3A_441 = tpu.memref_squeeze %dma_start3A_440 : memref<1x1x16x2048xf32, #tpu.memory_space<vmem_shared>> -> memref<16x2048xf32, #tpu.memory_space<vmem_shared>>
    tpu.enqueue_dma source(%dma_start3A_441 : memref<16x2048xf32, #tpu.memory_space<vmem_shared>>) target(%dma_start3A_437 : memref<16x2048xf32, #tpu.memory_space<hbm>>) target_semaphore(%arg8 : memref<!tpu.dma_semaphore, #tpu.memory_space<semaphore_mem>>)
    %add3A_442 = arith.constant 160 : i32
    %add3A_443 = arith.addi %mul3A_2, %add3A_442 : i32
    %dma_wait3A_444 = arith.constant 1 : i32
    %dma_wait3A_445 = arith.constant 0 : i32
    %dma_wait3A_446 = tpu.memref_slice %arg3[%add3A_443, %dma_wait3A_445] : memref<8192x2048xf32, #tpu.memory_space<hbm>> -> memref<16x2048xf32, #tpu.memory_space<hbm>>
    %dma_wait3A_447 = arith.constant 0 : i32
    %dma_wait3A_448 = arith.constant 0 : i32
    %dma_wait3A_449 = tpu.memref_slice %arg4[%arg1, %dma_wait3A_444, %dma_wait3A_447, %dma_wait3A_448] : memref<16x3x16x2048xf32, #tpu.memory_space<vmem_shared>> -> memref<1x1x16x2048xf32, #tpu.memory_space<vmem_shared>>
    %dma_wait3A_450 = tpu.memref_squeeze %dma_wait3A_449 : memref<1x1x16x2048xf32, #tpu.memory_space<vmem_shared>> -> memref<16x2048xf32, #tpu.memory_space<vmem_shared>>
    tpu.wait_dma2 semaphore(%arg9 : memref<!tpu.dma_semaphore, #tpu.memory_space<semaphore_mem>>) src(%dma_wait3A_450 : memref<16x2048xf32, #tpu.memory_space<vmem_shared>>) dst(%dma_wait3A_446 : memref<16x2048xf32, #tpu.memory_space<hbm>>)
    %add3A_451 = arith.constant 208 : i32
    %add3A_452 = arith.addi %mul3A_2, %add3A_451 : i32
    %dma_start3A_453 = arith.constant 1 : i32
    %dma_start3A_454 = arith.constant 0 : i32
    %dma_start3A_455 = arith.constant 0 : i32
    %dma_start3A_456 = tpu.memref_slice %arg4[%arg1, %dma_start3A_453, %dma_start3A_454, %dma_start3A_455] : memref<16x3x16x2048xf32, #tpu.memory_space<vmem_shared>> -> memref<1x1x16x2048xf32, #tpu.memory_space<vmem_shared>>
    %dma_start3A_457 = tpu.memref_squeeze %dma_start3A_456 : memref<1x1x16x2048xf32, #tpu.memory_space<vmem_shared>> -> memref<16x2048xf32, #tpu.memory_space<vmem_shared>>
    %dma_start3A_458 = arith.constant 0 : i32
    %dma_start3A_459 = tpu.memref_slice %arg2[%add3A_452, %dma_start3A_458] : memref<8192x2048xf32, #tpu.memory_space<hbm>> -> memref<16x2048xf32, #tpu.memory_space<hbm>>
    tpu.enqueue_dma source(%dma_start3A_459 : memref<16x2048xf32, #tpu.memory_space<hbm>>) target(%dma_start3A_457 : memref<16x2048xf32, #tpu.memory_space<vmem_shared>>) target_semaphore(%arg6 : memref<!tpu.dma_semaphore, #tpu.memory_space<semaphore_mem>>)
    %add3A_460 = arith.constant 208 : i32
    %add3A_461 = arith.addi %mul3A_2, %add3A_460 : i32
    %dma_wait3A_462 = arith.constant 1 : i32
    %dma_wait3A_463 = arith.constant 0 : i32
    %dma_wait3A_464 = arith.constant 0 : i32
    %dma_wait3A_465 = tpu.memref_slice %arg4[%arg1, %dma_wait3A_462, %dma_wait3A_463, %dma_wait3A_464] : memref<16x3x16x2048xf32, #tpu.memory_space<vmem_shared>> -> memref<1x1x16x2048xf32, #tpu.memory_space<vmem_shared>>
    %dma_wait3A_466 = tpu.memref_squeeze %dma_wait3A_465 : memref<1x1x16x2048xf32, #tpu.memory_space<vmem_shared>> -> memref<16x2048xf32, #tpu.memory_space<vmem_shared>>
    %dma_wait3A_467 = arith.constant 0 : i32
    %dma_wait3A_468 = tpu.memref_slice %arg2[%add3A_461, %dma_wait3A_467] : memref<8192x2048xf32, #tpu.memory_space<hbm>> -> memref<16x2048xf32, #tpu.memory_space<hbm>>
    tpu.wait_dma2 semaphore(%arg6 : memref<!tpu.dma_semaphore, #tpu.memory_space<semaphore_mem>>) src(%dma_wait3A_468 : memref<16x2048xf32, #tpu.memory_space<hbm>>) dst(%dma_wait3A_466 : memref<16x2048xf32, #tpu.memory_space<vmem_shared>>)
    %add3A_469 = arith.constant 208 : i32
    %add3A_470 = arith.addi %mul3A_2, %add3A_469 : i32
    %dma_start3A_471 = arith.constant 1 : i32
    %dma_start3A_472 = arith.constant 0 : i32
    %dma_start3A_473 = tpu.memref_slice %arg3[%add3A_470, %dma_start3A_472] : memref<8192x2048xf32, #tpu.memory_space<hbm>> -> memref<16x2048xf32, #tpu.memory_space<hbm>>
    %dma_start3A_474 = arith.constant 0 : i32
    %dma_start3A_475 = arith.constant 0 : i32
    %dma_start3A_476 = tpu.memref_slice %arg4[%arg1, %dma_start3A_471, %dma_start3A_474, %dma_start3A_475] : memref<16x3x16x2048xf32, #tpu.memory_space<vmem_shared>> -> memref<1x1x16x2048xf32, #tpu.memory_space<vmem_shared>>
    %dma_start3A_477 = tpu.memref_squeeze %dma_start3A_476 : memref<1x1x16x2048xf32, #tpu.memory_space<vmem_shared>> -> memref<16x2048xf32, #tpu.memory_space<vmem_shared>>
    tpu.enqueue_dma source(%dma_start3A_477 : memref<16x2048xf32, #tpu.memory_space<vmem_shared>>) target(%dma_start3A_473 : memref<16x2048xf32, #tpu.memory_space<hbm>>) target_semaphore(%arg9 : memref<!tpu.dma_semaphore, #tpu.memory_space<semaphore_mem>>)
    %add3A_478 = arith.constant 176 : i32
    %add3A_479 = arith.addi %mul3A_2, %add3A_478 : i32
    %dma_wait3A_480 = arith.constant 2 : i32
    %dma_wait3A_481 = arith.constant 0 : i32
    %dma_wait3A_482 = tpu.memref_slice %arg3[%add3A_479, %dma_wait3A_481] : memref<8192x2048xf32, #tpu.memory_space<hbm>> -> memref<16x2048xf32, #tpu.memory_space<hbm>>
    %dma_wait3A_483 = arith.constant 0 : i32
    %dma_wait3A_484 = arith.constant 0 : i32
    %dma_wait3A_485 = tpu.memref_slice %arg4[%arg1, %dma_wait3A_480, %dma_wait3A_483, %dma_wait3A_484] : memref<16x3x16x2048xf32, #tpu.memory_space<vmem_shared>> -> memref<1x1x16x2048xf32, #tpu.memory_space<vmem_shared>>
    %dma_wait3A_486 = tpu.memref_squeeze %dma_wait3A_485 : memref<1x1x16x2048xf32, #tpu.memory_space<vmem_shared>> -> memref<16x2048xf32, #tpu.memory_space<vmem_shared>>
    tpu.wait_dma2 semaphore(%arg10 : memref<!tpu.dma_semaphore, #tpu.memory_space<semaphore_mem>>) src(%dma_wait3A_486 : memref<16x2048xf32, #tpu.memory_space<vmem_shared>>) dst(%dma_wait3A_482 : memref<16x2048xf32, #tpu.memory_space<hbm>>)
    %add3A_487 = arith.constant 224 : i32
    %add3A_488 = arith.addi %mul3A_2, %add3A_487 : i32
    %dma_start3A_489 = arith.constant 2 : i32
    %dma_start3A_490 = arith.constant 0 : i32
    %dma_start3A_491 = arith.constant 0 : i32
    %dma_start3A_492 = tpu.memref_slice %arg4[%arg1, %dma_start3A_489, %dma_start3A_490, %dma_start3A_491] : memref<16x3x16x2048xf32, #tpu.memory_space<vmem_shared>> -> memref<1x1x16x2048xf32, #tpu.memory_space<vmem_shared>>
    %dma_start3A_493 = tpu.memref_squeeze %dma_start3A_492 : memref<1x1x16x2048xf32, #tpu.memory_space<vmem_shared>> -> memref<16x2048xf32, #tpu.memory_space<vmem_shared>>
    %dma_start3A_494 = arith.constant 0 : i32
    %dma_start3A_495 = tpu.memref_slice %arg2[%add3A_488, %dma_start3A_494] : memref<8192x2048xf32, #tpu.memory_space<hbm>> -> memref<16x2048xf32, #tpu.memory_space<hbm>>
    tpu.enqueue_dma source(%dma_start3A_495 : memref<16x2048xf32, #tpu.memory_space<hbm>>) target(%dma_start3A_493 : memref<16x2048xf32, #tpu.memory_space<vmem_shared>>) target_semaphore(%arg7 : memref<!tpu.dma_semaphore, #tpu.memory_space<semaphore_mem>>)
    %add3A_496 = arith.constant 224 : i32
    %add3A_497 = arith.addi %mul3A_2, %add3A_496 : i32
    %dma_wait3A_498 = arith.constant 2 : i32
    %dma_wait3A_499 = arith.constant 0 : i32
    %dma_wait3A_500 = arith.constant 0 : i32
    %dma_wait3A_501 = tpu.memref_slice %arg4[%arg1, %dma_wait3A_498, %dma_wait3A_499, %dma_wait3A_500] : memref<16x3x16x2048xf32, #tpu.memory_space<vmem_shared>> -> memref<1x1x16x2048xf32, #tpu.memory_space<vmem_shared>>
    %dma_wait3A_502 = tpu.memref_squeeze %dma_wait3A_501 : memref<1x1x16x2048xf32, #tpu.memory_space<vmem_shared>> -> memref<16x2048xf32, #tpu.memory_space<vmem_shared>>
    %dma_wait3A_503 = arith.constant 0 : i32
    %dma_wait3A_504 = tpu.memref_slice %arg2[%add3A_497, %dma_wait3A_503] : memref<8192x2048xf32, #tpu.memory_space<hbm>> -> memref<16x2048xf32, #tpu.memory_space<hbm>>
    tpu.wait_dma2 semaphore(%arg7 : memref<!tpu.dma_semaphore, #tpu.memory_space<semaphore_mem>>) src(%dma_wait3A_504 : memref<16x2048xf32, #tpu.memory_space<hbm>>) dst(%dma_wait3A_502 : memref<16x2048xf32, #tpu.memory_space<vmem_shared>>)
    %add3A_505 = arith.constant 224 : i32
    %add3A_506 = arith.addi %mul3A_2, %add3A_505 : i32
    %dma_start3A_507 = arith.constant 2 : i32
    %dma_start3A_508 = arith.constant 0 : i32
    %dma_start3A_509 = tpu.memref_slice %arg3[%add3A_506, %dma_start3A_508] : memref<8192x2048xf32, #tpu.memory_space<hbm>> -> memref<16x2048xf32, #tpu.memory_space<hbm>>
    %dma_start3A_510 = arith.constant 0 : i32
    %dma_start3A_511 = arith.constant 0 : i32
    %dma_start3A_512 = tpu.memref_slice %arg4[%arg1, %dma_start3A_507, %dma_start3A_510, %dma_start3A_511] : memref<16x3x16x2048xf32, #tpu.memory_space<vmem_shared>> -> memref<1x1x16x2048xf32, #tpu.memory_space<vmem_shared>>
    %dma_start3A_513 = tpu.memref_squeeze %dma_start3A_512 : memref<1x1x16x2048xf32, #tpu.memory_space<vmem_shared>> -> memref<16x2048xf32, #tpu.memory_space<vmem_shared>>
    tpu.enqueue_dma source(%dma_start3A_513 : memref<16x2048xf32, #tpu.memory_space<vmem_shared>>) target(%dma_start3A_509 : memref<16x2048xf32, #tpu.memory_space<hbm>>) target_semaphore(%arg10 : memref<!tpu.dma_semaphore, #tpu.memory_space<semaphore_mem>>)
    %add3A_514 = arith.constant 192 : i32
    %add3A_515 = arith.addi %mul3A_2, %add3A_514 : i32
    %dma_wait3A_516 = arith.constant 0 : i32
    %dma_wait3A_517 = arith.constant 0 : i32
    %dma_wait3A_518 = tpu.memref_slice %arg3[%add3A_515, %dma_wait3A_517] : memref<8192x2048xf32, #tpu.memory_space<hbm>> -> memref<16x2048xf32, #tpu.memory_space<hbm>>
    %dma_wait3A_519 = arith.constant 0 : i32
    %dma_wait3A_520 = arith.constant 0 : i32
    %dma_wait3A_521 = tpu.memref_slice %arg4[%arg1, %dma_wait3A_516, %dma_wait3A_519, %dma_wait3A_520] : memref<16x3x16x2048xf32, #tpu.memory_space<vmem_shared>> -> memref<1x1x16x2048xf32, #tpu.memory_space<vmem_shared>>
    %dma_wait3A_522 = tpu.memref_squeeze %dma_wait3A_521 : memref<1x1x16x2048xf32, #tpu.memory_space<vmem_shared>> -> memref<16x2048xf32, #tpu.memory_space<vmem_shared>>
    tpu.wait_dma2 semaphore(%arg8 : memref<!tpu.dma_semaphore, #tpu.memory_space<semaphore_mem>>) src(%dma_wait3A_522 : memref<16x2048xf32, #tpu.memory_space<vmem_shared>>) dst(%dma_wait3A_518 : memref<16x2048xf32, #tpu.memory_space<hbm>>)
    %add3A_523 = arith.constant 240 : i32
    %add3A_524 = arith.addi %mul3A_2, %add3A_523 : i32
    %dma_start3A_525 = arith.constant 0 : i32
    %dma_start3A_526 = arith.constant 0 : i32
    %dma_start3A_527 = arith.constant 0 : i32
    %dma_start3A_528 = tpu.memref_slice %arg4[%arg1, %dma_start3A_525, %dma_start3A_526, %dma_start3A_527] : memref<16x3x16x2048xf32, #tpu.memory_space<vmem_shared>> -> memref<1x1x16x2048xf32, #tpu.memory_space<vmem_shared>>
    %dma_start3A_529 = tpu.memref_squeeze %dma_start3A_528 : memref<1x1x16x2048xf32, #tpu.memory_space<vmem_shared>> -> memref<16x2048xf32, #tpu.memory_space<vmem_shared>>
    %dma_start3A_530 = arith.constant 0 : i32
    %dma_start3A_531 = tpu.memref_slice %arg2[%add3A_524, %dma_start3A_530] : memref<8192x2048xf32, #tpu.memory_space<hbm>> -> memref<16x2048xf32, #tpu.memory_space<hbm>>
    tpu.enqueue_dma source(%dma_start3A_531 : memref<16x2048xf32, #tpu.memory_space<hbm>>) target(%dma_start3A_529 : memref<16x2048xf32, #tpu.memory_space<vmem_shared>>) target_semaphore(%arg5 : memref<!tpu.dma_semaphore, #tpu.memory_space<semaphore_mem>>)
    %add3A_532 = arith.constant 240 : i32
    %add3A_533 = arith.addi %mul3A_2, %add3A_532 : i32
    %dma_wait3A_534 = arith.constant 0 : i32
    %dma_wait3A_535 = arith.constant 0 : i32
    %dma_wait3A_536 = arith.constant 0 : i32
    %dma_wait3A_537 = tpu.memref_slice %arg4[%arg1, %dma_wait3A_534, %dma_wait3A_535, %dma_wait3A_536] : memref<16x3x16x2048xf32, #tpu.memory_space<vmem_shared>> -> memref<1x1x16x2048xf32, #tpu.memory_space<vmem_shared>>
    %dma_wait3A_538 = tpu.memref_squeeze %dma_wait3A_537 : memref<1x1x16x2048xf32, #tpu.memory_space<vmem_shared>> -> memref<16x2048xf32, #tpu.memory_space<vmem_shared>>
    %dma_wait3A_539 = arith.constant 0 : i32
    %dma_wait3A_540 = tpu.memref_slice %arg2[%add3A_533, %dma_wait3A_539] : memref<8192x2048xf32, #tpu.memory_space<hbm>> -> memref<16x2048xf32, #tpu.memory_space<hbm>>
    tpu.wait_dma2 semaphore(%arg5 : memref<!tpu.dma_semaphore, #tpu.memory_space<semaphore_mem>>) src(%dma_wait3A_540 : memref<16x2048xf32, #tpu.memory_space<hbm>>) dst(%dma_wait3A_538 : memref<16x2048xf32, #tpu.memory_space<vmem_shared>>)
    %add3A_541 = arith.constant 240 : i32
    %add3A_542 = arith.addi %mul3A_2, %add3A_541 : i32
    %dma_start3A_543 = arith.constant 0 : i32
    %dma_start3A_544 = arith.constant 0 : i32
    %dma_start3A_545 = tpu.memref_slice %arg3[%add3A_542, %dma_start3A_544] : memref<8192x2048xf32, #tpu.memory_space<hbm>> -> memref<16x2048xf32, #tpu.memory_space<hbm>>
    %dma_start3A_546 = arith.constant 0 : i32
    %dma_start3A_547 = arith.constant 0 : i32
    %dma_start3A_548 = tpu.memref_slice %arg4[%arg1, %dma_start3A_543, %dma_start3A_546, %dma_start3A_547] : memref<16x3x16x2048xf32, #tpu.memory_space<vmem_shared>> -> memref<1x1x16x2048xf32, #tpu.memory_space<vmem_shared>>
    %dma_start3A_549 = tpu.memref_squeeze %dma_start3A_548 : memref<1x1x16x2048xf32, #tpu.memory_space<vmem_shared>> -> memref<16x2048xf32, #tpu.memory_space<vmem_shared>>
    tpu.enqueue_dma source(%dma_start3A_549 : memref<16x2048xf32, #tpu.memory_space<vmem_shared>>) target(%dma_start3A_545 : memref<16x2048xf32, #tpu.memory_space<hbm>>) target_semaphore(%arg8 : memref<!tpu.dma_semaphore, #tpu.memory_space<semaphore_mem>>)
    %add3A_550 = arith.constant 208 : i32
    %add3A_551 = arith.addi %mul3A_2, %add3A_550 : i32
    %dma_wait3A_552 = arith.constant 1 : i32
    %dma_wait3A_553 = arith.constant 0 : i32
    %dma_wait3A_554 = tpu.memref_slice %arg3[%add3A_551, %dma_wait3A_553] : memref<8192x2048xf32, #tpu.memory_space<hbm>> -> memref<16x2048xf32, #tpu.memory_space<hbm>>
    %dma_wait3A_555 = arith.constant 0 : i32
    %dma_wait3A_556 = arith.constant 0 : i32
    %dma_wait3A_557 = tpu.memref_slice %arg4[%arg1, %dma_wait3A_552, %dma_wait3A_555, %dma_wait3A_556] : memref<16x3x16x2048xf32, #tpu.memory_space<vmem_shared>> -> memref<1x1x16x2048xf32, #tpu.memory_space<vmem_shared>>
    %dma_wait3A_558 = tpu.memref_squeeze %dma_wait3A_557 : memref<1x1x16x2048xf32, #tpu.memory_space<vmem_shared>> -> memref<16x2048xf32, #tpu.memory_space<vmem_shared>>
    tpu.wait_dma2 semaphore(%arg9 : memref<!tpu.dma_semaphore, #tpu.memory_space<semaphore_mem>>) src(%dma_wait3A_558 : memref<16x2048xf32, #tpu.memory_space<vmem_shared>>) dst(%dma_wait3A_554 : memref<16x2048xf32, #tpu.memory_space<hbm>>)
    %add3A_559 = arith.constant 224 : i32
    %add3A_560 = arith.addi %mul3A_2, %add3A_559 : i32
    %dma_wait3A_561 = arith.constant 2 : i32
    %dma_wait3A_562 = arith.constant 0 : i32
    %dma_wait3A_563 = tpu.memref_slice %arg3[%add3A_560, %dma_wait3A_562] : memref<8192x2048xf32, #tpu.memory_space<hbm>> -> memref<16x2048xf32, #tpu.memory_space<hbm>>
    %dma_wait3A_564 = arith.constant 0 : i32
    %dma_wait3A_565 = arith.constant 0 : i32
    %dma_wait3A_566 = tpu.memref_slice %arg4[%arg1, %dma_wait3A_561, %dma_wait3A_564, %dma_wait3A_565] : memref<16x3x16x2048xf32, #tpu.memory_space<vmem_shared>> -> memref<1x1x16x2048xf32, #tpu.memory_space<vmem_shared>>
    %dma_wait3A_567 = tpu.memref_squeeze %dma_wait3A_566 : memref<1x1x16x2048xf32, #tpu.memory_space<vmem_shared>> -> memref<16x2048xf32, #tpu.memory_space<vmem_shared>>
    tpu.wait_dma2 semaphore(%arg10 : memref<!tpu.dma_semaphore, #tpu.memory_space<semaphore_mem>>) src(%dma_wait3A_567 : memref<16x2048xf32, #tpu.memory_space<vmem_shared>>) dst(%dma_wait3A_563 : memref<16x2048xf32, #tpu.memory_space<hbm>>)
    %add3A_568 = arith.constant 240 : i32
    %add3A_569 = arith.addi %mul3A_2, %add3A_568 : i32
    %dma_wait3A_570 = arith.constant 0 : i32
    %dma_wait3A_571 = arith.constant 0 : i32
    %dma_wait3A_572 = tpu.memref_slice %arg3[%add3A_569, %dma_wait3A_571] : memref<8192x2048xf32, #tpu.memory_space<hbm>> -> memref<16x2048xf32, #tpu.memory_space<hbm>>
    %dma_wait3A_573 = arith.constant 0 : i32
    %dma_wait3A_574 = arith.constant 0 : i32
    %dma_wait3A_575 = tpu.memref_slice %arg4[%arg1, %dma_wait3A_570, %dma_wait3A_573, %dma_wait3A_574] : memref<16x3x16x2048xf32, #tpu.memory_space<vmem_shared>> -> memref<1x1x16x2048xf32, #tpu.memory_space<vmem_shared>>
    %dma_wait3A_576 = tpu.memref_squeeze %dma_wait3A_575 : memref<1x1x16x2048xf32, #tpu.memory_space<vmem_shared>> -> memref<16x2048xf32, #tpu.memory_space<vmem_shared>>
    tpu.wait_dma2 semaphore(%arg8 : memref<!tpu.dma_semaphore, #tpu.memory_space<semaphore_mem>>) src(%dma_wait3A_576 : memref<16x2048xf32, #tpu.memory_space<vmem_shared>>) dst(%dma_wait3A_572 : memref<16x2048xf32, #tpu.memory_space<hbm>>)
    return
  }
}

</mosaic_0001>

<sc_bundles>
// kernel: kernel.3.cloned.1.call-start
scs
__scs_entry_jumppad:
0x0: {  	(pc) =	sbr.rel $0x88, $3  }
0x1: {  	(tag) =	ssettag $0x0;
	lr =	simm.s32 $0x1  }
0x2: {  	[smem:$0x3FA0] =	sst lr;
	_ =	strace $0xD0000000  }
0x3: {  	_ = 	snop  }
0x4: {  	_ = 	snop  }
0x5: {  	_ = 	snop  }
0x6: {  	_ = 	snop  }
0x7: {  	_ = 	snop  }
__scs_overlays_trampoline_lowered:
0x8: {  	[smem:$0x3FAF] =	sst s0  }
0x9: {  	[smem:$0x3FB0] =	sst s1  }
0xa: {  	[smem:$0x3FB1] =	sst s2  }
0xb: {  	[smem:$0x3FB2] =	sst s3  }
0xc: {  	[smem:$0x3FB3] =	sst s4  }
0xd: {  	[smem:$0x3FB4] =	sst s5  }
0xe: {  	[smem:$0x3FB5] =	sst s6  }
0xf: {  	[smem:$0x3FB6] =	sst s7  }
0x10: {  	[smem:$0x3FB7] =	sst s8  }
0x11: {  	[smem:$0x3FB8] =	sst s9;
	s0 =	simm.s32 @!p0 $0x0  }
0x12: {  	s1 =	sld [smem:$0x3F9E];
	s0 =	simm.s32 @p0 $0x1  }
0x13: {  	[smem:$0x3FB9] =	sst s0;
	s0 =	simm.s32 @!p1 $0x0  }
0x14: {  	s2 =	sld [smem:$0x3F9D];
	s0 =	simm.s32 @p1 $0x1  }
0x15: {  	[smem:$0x3FBA] =	sst s0;
	s0 =	simm.s32 @!p2 $0x0  }
0x16: {  	s3 =	sld [smem:$0x3FDB];
	s0 =	simm.s32 @p2 $0x1  }
0x17: {  	s4 =	simm.s32 $0x1BF5;
	[smem:$0x3FBC] =	sst s0  }
0x18: {  	s0 =	sld [smem:$0x3F9F];
	_ =	swait.ge [sflag:s4], $0x0  }
0x19: {  	s7 =	sld [smem:$0x3FA0]  }
0x1a: {  	s8 =	sadd.s32 $0xFFFFE003, lr  }
0x1b: {  	s9 =	sadd.s32 $0xFFFFFEF7, lr;
	s5 =	simm.s32 $0xFFFFFFFF;
	p2 =	slt.u32 s8, $0xFFFFF086  }
0x1c: {  	p1 =	slt.u32 s9, $0xF7A;
	s5 =	simm.s32 @!p2 $0x0  }
0x1d: {  	s5 =	simm.s32 @p1 $0x1;
	p0 =	seq.s32 s7, s2  }
0x1e: {  	s7 =	smul.u32 @!p0 $0xF7A, s2;
	p2 =	seq.s32 @!p0 s5, $0x0  }
0x1f: {  	s9 =	smul.u32 $0xF7A, s1;
	s8 =	simm.s32 @!p0 $0x1BF5;
	p2 =	por !p2, p0  }
0x20: {  	[sflag:s8] =	ssyncset.s32 @!p0 $0xFFFFF086;
	s6 =	sadd.s32 @!p0 s3, s7;
	s7 =	simm.s32 @!p0 $0x108  }
0x21: {  	s3 =	sadd.s32 s3, s9;
	s6 =	sadd.s32 @!p0 $0x88, s6;
	s7 =	simm.s32 @p2 $0x1082  }
0x22: {  	[simem:s7], [sflag:s8] =	dma.local @!p0 [hbm:s6], $0xF7A  }
0x23: {  	s9 =	sor.u32 $0xD0000000, s2;
	s6 =	simm.s32 $0x108;
	_ =	swait.ge @!p0 [sflag:s8], $0x0  }
0x24: {  	s3 =	sadd.s32 $0x88, s3;
	s6 =	simm.s32 @!p1 $0x1082;
	[sflag:s4] =	ssyncset.s32 $0xFFFFF086  }
0x25: {  	[simem:s6], [sflag:s4] =	dma.local [hbm:s3], $0xF7A  }
0x26: {  	[smem:$0x3FA0] =	sst s1;
	(tag) =	ssettag s2;
	_ =	strace s9  }
0x27: {  	s1 =	sld [smem:$0x3FB0]  }
0x28: {  	s2 =	sld [smem:$0x3FB1]  }
0x29: {  	s4 =	sld [smem:$0x3FB3]  }
0x2a: {  	p0 =	seq.s32 s5, $0x0;
	s5 =	sld [smem:$0x3FB4]  }
0x2b: {  	s6 =	sld [smem:$0x3FB5]  }
0x2c: {  	s7 =	sld [smem:$0x3FB6]  }
0x2d: {  	s3 =	simm.s32 $0x108;
	s8 =	sld [smem:$0x3FB7]  }
0x2e: {  	s3 =	simm.s32 @!p0 $0x1082;
	s9 =	sld [smem:$0x3FB8]  }
0x2f: {  	lr =	sadd.s32 s0, s3;
	s0 =	sld [smem:$0x3FAF]  }
0x30: {  	s3 =	sld [smem:$0x3FB2]  }
0x31: {  	[smem:$0x3FBB] =	sst s10  }
0x32: {  	s10 =	sld [smem:$0x3FB9];
	_ =	sdelay $0x3  }
0x33: {  	p0 =	seq.s32 s10, $0x1;
	s10 =	sld [smem:$0x3FBB];
	_ =	sdelay $0x3  }
0x34: {  	[smem:$0x3FBB] =	sst s10  }
0x35: {  	s10 =	sld [smem:$0x3FBA];
	_ =	sdelay $0x3  }
0x36: {  	p1 =	seq.s32 s10, $0x1;
	s10 =	sld [smem:$0x3FBB];
	_ =	sdelay $0x3  }
0x37: {  	[smem:$0x3FBB] =	sst s10  }
0x38: {  	s10 =	sld [smem:$0x3FBC]  }
0x39: {  	_ = 	snop;
	(pc) =	sbr.ind lr, $3  }
0x3a: {  	_ = 	snop  }
0x3b: {  	_ = 	snop  }
0x3c: {  	p2 =	seq.s32 s10, $0x1;
	s10 =	sld [smem:$0x3FBB]  }
0x3d: {  	_ =	shalt  }
0x3e: {  	_ =	shalt  }
0x3f: {  	_ =	shalt  }
0x40: {  	_ =	shalt  }
0x41: {  	_ =	shalt  }
0x42: {  	_ =	shalt  }
0x43: {  	_ =	shalt  }
0x44: {  	_ =	shalt  }
0x45: {  	_ =	shalt  }
0x46: {  	_ =	shalt  }
0x47: {  	_ =	shalt  }
0x48: {  	_ =	shalt  }
0x49: {  	_ =	shalt  }
0x4a: {  	_ =	shalt  }
0x4b: {  	_ =	shalt  }
0x4c: {  	_ =	shalt  }
0x4d: {  	_ =	shalt  }
0x4e: {  	_ =	shalt  }
0x4f: {  	_ =	shalt  }
0x50: {  	_ =	shalt  }
0x51: {  	_ =	shalt  }
0x52: {  	_ =	shalt  }
0x53: {  	_ =	shalt  }
0x54: {  	_ =	shalt  }
0x55: {  	_ =	shalt  }
0x56: {  	_ =	shalt  }
0x57: {  	_ =	shalt  }
0x58: {  	_ =	shalt  }
0x59: {  	_ =	shalt  }
0x5a: {  	_ =	shalt  }
0x5b: {  	_ =	shalt  }
0x5c: {  	_ =	shalt  }
0x5d: {  	_ =	shalt  }
0x5e: {  	_ =	shalt  }
0x5f: {  	_ =	shalt  }
0x60: {  	_ =	shalt  }
0x61: {  	_ =	shalt  }
0x62: {  	_ =	shalt  }
0x63: {  	_ =	shalt  }
0x64: {  	_ =	shalt  }
0x65: {  	_ =	shalt  }
0x66: {  	_ =	shalt  }
0x67: {  	_ =	shalt  }
0x68: {  	_ =	shalt  }
0x69: {  	_ =	shalt  }
0x6a: {  	_ =	shalt  }
0x6b: {  	_ =	shalt  }
0x6c: {  	_ =	shalt  }
0x6d: {  	_ =	shalt  }
0x6e: {  	_ =	shalt  }
0x6f: {  	_ =	shalt  }
0x70: {  	_ =	shalt  }
0x71: {  	_ =	shalt  }
0x72: {  	_ =	shalt  }
0x73: {  	_ =	shalt  }
0x74: {  	_ =	shalt  }
0x75: {  	_ =	shalt  }
0x76: {  	_ =	shalt  }
0x77: {  	_ =	shalt  }
0x78: {  	_ =	shalt  }
0x79: {  	_ =	shalt  }
0x7a: {  	_ =	shalt  }
0x7b: {  	_ =	shalt  }
0x7c: {  	_ =	shalt  }
0x7d: {  	_ =	shalt  }
0x7e: {  	_ =	shalt  }
0x7f: {  	_ =	shalt  }
0x80: {  	_ =	shalt  }
0x81: {  	_ =	shalt  }
0x82: {  	_ =	shalt  }
0x83: {  	_ =	shalt  }
0x84: {  	_ =	shalt  }
0x85: {  	_ =	shalt  }
0x86: {  	_ =	shalt  }
0x87: {  	_ =	shalt  }
.Lfunc_end0:
.L_simem_size_0:
called_computation_lowered:
.L_overlay_start_0:
0x88: {  	s2 =	sld [smem:$0x3FD9]  }
0x89: {  	s3 =	sld [smem:$0x3FFE];
	_ =	sdelay $0x1  }
0x8a: {  	s1 =	srdreg.scid  }
0x8b: {  	s0 =	sand.u32 $0x1, s1  }
0x8c: {  	s18 =	sshll.u32 s0, $0xA;
	s2 =	sadd.s32 s3, s2  }
0x8d: {  	s2 =	sadd.s32 s2, s18  }
0x8e: {  	[smem:$0x3FC7] =	sst s2  }
0x8f: {  	_ = 	snop  }
0x90: {  	s2 =	sld [smem:$0x3FC9]  }
0x91: {  	s19 =	sld [smem:$0x3FD0];
	(tm) =	ssettm $0x1  }
0x92: {  	s4 =	sld [smem:$0x3FFB];
	_ =	sdelay $0x3  }
0x93: {  	_ =	strace s4  }
0x94: {  	s4 =	sld [smem:$0x3FFC];
	_ =	sdelay $0x3  }
0x95: {  	_ =	strace s4  }
0x96: {  	s4 =	sld [smem:$0x3FFD];
	_ =	sdelay $0x3  }
0x97: {  	_ =	strace s4  }
0x98: {  	_ =	strace $0x8FFFFFFF  }
0x99: {  	s20 =	sld [smem:$0x3FDB];
	_ =	sdelay $0x1  }
0x9a: {  	s5 =	simm.s32 $_scs_section_size  }
0x9b: {  	s6 =	simm.s32 $_size__tile_overlayer_lowered;
	s7 =	simm.s32 $_tile_overlayer_lowered  }
0x9c: {  	s23 =	simm.s32 $0x1BFF;
	s22 =	sshll.u32 s7, $0x1;
	s4 =	sadd.s32 s5, s20  }
0x9d: {  	s8 =	simm.s32 $0x0;
	s21 =	sshll.u32 s6, $0x1;
	s6 =	sadd.s32 s22, s4  }
0x9e: {  	[timem:s8], [sflag:s23] =	dma.local [hbm:s6], s21  }
0x9f: {  	_ =	swait.ge [sflag:s23], s21  }
0xa0: {  	s5 =	ssub.s32 $0x0, s21;
	[sflag:s23] =	ssyncset.done $0x0  }
0xa1: {  	[sflag:s23] =	ssyncadd.s32 s5;
	_ =	sdelay $0x1  }
0xa2: {  	s24 =	simm.s32 $0x1B8B  }
0xa3: {  	_ =	swait.ge [sflag:s24], $0x1  }
0xa4: {  	[sflag:s24] =	ssyncset.done $0x0  }
0xa5: {  	s25 =	simm.s32 $0x1B8E;
	[sflag:s24] =	ssyncadd.s32 $0xFFFFFFFF  }
0xa6: {  	s26 =	simm.s32 $execute0_lowered;
	[smem:$0x3FD2] =	sst s25  }
0xa7: {  	s5 =	sshll.u32 s26, $0x1;
	_ =	strace $0x80000046;
	[dreg:$0x1] =	wrdreg $0xFFFFFFFF  }
0xa8: {  	s28 =	simm.s32 $_size_execute0_lowered;
	s4 =	sadd.s32 s4, s5;
	[dreg:$0x0] =	wrdreg $0x0  }
0xa9: {  	s5 =	sshll.u32 s28, $0x1;
	[dreg:$0x2] =	wrdreg s4  }
0xaa: {  	[dreg:$0x3] =	wrdreg s5  }
0xab: {  	[dreg:$0x4] =	wrdreg $0xC0  }
0xac: {  	_ =	task [dreg:s8], $0x5FFFF  }
0xad: {  	[dreg:$0x1] =	wrdreg $0xFFFFFFFF  }
0xae: {  	[dreg:$0x0] =	wrdreg $0x60  }
0xaf: {  	[dreg:$0x2] =	wrdreg s2  }
0xb0: {  	[dreg:$0x3] =	wrdreg s19  }
0xb1: {  	[dreg:$0x4] =	wrdreg $0x0  }
0xb2: {  	[dreg:$0x5] =	wrdreg $0x9  }
0xb3: {  	_ =	task.clear_ibuf [dreg:s8], $0x6FFFF;
	_ =	strace $0x90000046  }
0xb4: {  	s29 =	simm.s32 $0x9;
	_ =	strace $0x80000048  }
0xb5: {  	_ =	swait.ge [sflag:s29], $0x1  }
0xb6: {  	[sflag:s29] =	ssyncadd.s32 $0xFFFFFFFF  }
0xb7: {  	_ =	strace $0x90000048  }
0xb8: {  	_ =	sfence  }
0xb9: {  	s30 =	sld [smem:$0x0];
	_ =	sdelay $0x2  }
0xba: {  	s31 =	sshll.u32 s1, $0xD;
	s1 =	sshrl.u32 s1, $0x2  }
0xbb: {  	s3 =	sand.u32 $0x4000, s31;
	s1 =	sadd.s32 s1, s30  }
0xbc: {  	s0 =	sor.u32 s3, s0;
	s1 =	sshll.u32 s1, $0x11  }
0xbd: {  	s0 =	sor.u32 s1, s0  }
0xbe: {  	s0 =	sadd.s32 $0x8F2B, s0  }
0xbf: {  	[sflag:s0] =	ssyncadd.remote.s32 $0x1  }
0xc0: {  	_ =	sfence.sel $0xFFFF  }
0xc1: {  	[dreg:$0x0] =	wrdreg $0xFFFFFFFF;
	(pc) =	sbr.abs _section_cstart, $3  }
0xc2: {  	[dreg:$0x1] =	wrdreg $0xFFFFFFFF  }
0xc3: {  	_ =	task.clear_ibuf [dreg:s8], $0x2FFFF;
	_ =	strace $0x9FFFFFFF  }
0xc4: {  	(tm) =	ssettm $0x7FFFFFFF  }
0xc5: {  	_ =	shalt  }
tec
execute0_lowered:
.L_overlay_start_1:
0x0: {  	(tag) =	ssettag $0x1  }
0x1: {  	s0 =	rddreg [dreg:$0x0]  }
0x2: {  	s3 =	rddreg [dreg:$0x1]  }
0x3: {  	s1 =	rddreg [dreg:$0x2]  }
0x4: {  	s2 =	srdreg.scid;
	s30 =	rddreg [dreg:$0x3]  }
0x5: {  	s31 =	stileid.u32;
	s4 =	simm.s32 $0x0;
	p0 =	por $0x0, $0x0  }
0x6: {  	s2 =	sand.u32 $0x1, s2;
	s5 =	sshll.u32 s31, $0x11;
	[smem:$0x7FF] =	sst s4  }
0x7: {  	s28 =	smul.u32 $0x60000, s31;
	s6 =	sshll.u32 s2, $0x10;
	s2 =	ssub.s32 $0x2, s2  }
0x8: {  	_ =	strace $0x80000047;
	s4 =	sor.u32 s6, s5;
	s20 =	sshrl.u32 s2, $0x1  }
0x9: {  	s5 =	sadd.s32 s0, s4;
	s6 =	sor.u32 $0x1000, s4;
	s7 =	sor.u32 $0x2000, s4  }
0xa: {  	s16 =	sadd.s32 s3, s4;
	s19 =	sor.u32 $0x3000, s4;
	[dreg:$0x4] =	wrdreg s5  }
0xb: {  	s23 =	sor.u32 $0x4000, s4;
	s14 =	sadd.s32 s0, s6;
	[dreg:$0x7] =	wrdreg s16  }
0xc: {  	s26 =	sor.u32 $0x5000, s4;
	s15 =	sadd.s32 s0, s7;
	[dreg:$0x5] =	wrdreg s14  }
0xd: {  	s8 =	sor.u32 $0x6000, s4;
	s17 =	sadd.s32 s3, s6;
	[dreg:$0x6] =	wrdreg s15  }
0xe: {  	s11 =	sor.u32 $0x7000, s4;
	s18 =	sadd.s32 s3, s7;
	[dreg:$0x8] =	wrdreg s17  }
0xf: {  	s21 =	sadd.s32 s0, s19;
	s22 =	sadd.s32 s3, s19;
	[dreg:$0x9] =	wrdreg s18  }
0x10: {  	s7 =	ssub.s32 s2, s20;
	s24 =	sadd.s32 s0, s23;
	[dreg:$0xa] =	wrdreg s21  }
0x11: {  	s25 =	sadd.s32 s3, s23;
	s29 =	sadd.s32 s0, s26;
	[dreg:$0xb] =	wrdreg s22  }
0x12: {  	s5 =	sadd.s32 s3, s26;
	s6 =	sshrl.u32 s28, $0x2;
	[dreg:$0xc] =	wrdreg s24  }
0x13: {  	s9 =	sadd.s32 s0, s8;
	s10 =	sadd.s32 s3, s8;
	[dreg:$0xd] =	wrdreg s25  }
0x14: {  	s12 =	sadd.s32 s0, s11;
	s13 =	sadd.s32 s3, s11;
	[dreg:$0xe] =	wrdreg s29  }
0x15: {  	s16 =	sor.u32 $0x9000, s4;
	s19 =	sor.u32 $0xB000, s4;
	[dreg:$0xf] =	wrdreg s5  }
0x16: {  	s20 =	sor.u32 $0xC000, s4;
	s26 =	sor.u32 $0xD000, s4;
	[dreg:$0x10] =	wrdreg s9  }
0x17: {  	s28 =	sor.u32 $0xE000, s4;
	s1 =	sadd.s32 s6, s1;
	[dreg:$0x11] =	wrdreg s10  }
0x18: {  	[dreg:$0x12] =	wrdreg s12;
	s14 =	sor.u32 $0x8000, s4;
	s25 =	sshll.u32 s31, $0x6  }
0x19: {  	[dreg:$0x13] =	wrdreg s13;
	s17 =	sadd.s32 s0, s16;
	s24 =	sadd.s32 s3, s16  }
0x1a: {  	s18 =	sor.u32 $0xA000, s4;
	s21 =	sadd.s32 s0, s19;
	s19 =	sadd.s32 s3, s19  }
0x1b: {  	s16 =	sadd.s32 s3, s20;
	s11 =	sadd.s32 s3, s26;
	s4 =	sor.u32 $0xF000, s4  }
0x1c: {  	s10 =	sadd.s32 s0, s28;
	s8 =	sadd.s32 s3, s28;
	s29 =	smax.u32 s7, $0x1  }
0x1d: {  	s6 =	simm.s32 $0x1;
	s7 =	simm.s32 $0x5;
	s15 =	sadd.s32 s0, s14  }
0x1e: {  	s5 =	sadd.s32 s3, s14;
	s2 =	sor.u32 $0x1C01, s25;
	s9 =	sadd.s32 $0x8000, s1  }
0x1f: {  	s12 =	sadd.s32 $0x10000, s1;
	[dreg:$0x16] =	wrdreg s17;
	s23 =	sadd.s32 s0, s18  }
0x20: {  	s22 =	sadd.s32 s3, s18;
	s18 =	sadd.s32 s0, s20;
	p1 =	sne.s32 s29, $0x1  }
.Ltmp0:
0x21: {  	s13 =	sshrl.u32 s1, $0x3;
	s1 =	rddreg [dreg:$0x4];
	(pc) =	sbr.rel @!p1 .LBB2_5-.Ltmp0, $4  }
0x22: {  	s14 =	sadd.s32 s0, s26;
	s20 =	simm.s32 $0x2;
	[dreg:$0x14] =	wrdreg s15  }
0x23: {  	[dreg:$0x15] =	wrdreg s5;
	s5 =	sadd.s32 s0, s4;
	s4 =	sadd.s32 s3, s4  }
0x24: {  	s17 =	sshrl.u32 s9, $0x3;
	s12 =	sshrl.u32 s12, $0x3;
	s15 =	simm.s32 $0x3  }
0x25: {  	s3 =	simm.s32 $0x4;
	s0 =	sadd.s32 $0xFFFFFFFF, s29;
	s9 =	simm.s32 $0x6  }
0x26: {  	[spmem:s13], [sflag:s2] =	dma.local [hbm:s1], $0x1000  }
0x27: {  	s26 =	sor.u32 $0x1C02, s25;
	s1 =	rddreg [dreg:$0x5]  }
0x28: {  	[spmem:s17], [sflag:s26] =	dma.local [hbm:s1], $0x1000  }
0x29: {  	s28 =	sor.u32 $0x1C03, s25;
	s1 =	rddreg [dreg:$0x6]  }
0x2a: {  	[spmem:s12], [sflag:s28] =	dma.local [hbm:s1], $0x1000  }
0x2b: {  	_ =	swait.ge [sflag:s6], $0x1000  }
0x2c: {  	[sflag:s6] =	ssyncset.done $0x0  }
0x2d: {  	s29 =	sor.u32 $0x1C04, s25;
	s1 =	rddreg [dreg:$0x7];
	[sflag:s6] =	ssyncadd.s32 $0xFFFFF000  }
0x2e: {  	[hbm:s1], [sflag:s29] =	dma.local [spmem:s13], $0x1000  }
0x2f: {  	_ =	swait.ge [sflag:s20], $0x1000  }
0x30: {  	[sflag:s20] =	ssyncset.done $0x0  }
0x31: {  	s30 =	sor.u32 $0x1C05, s25;
	s1 =	rddreg [dreg:$0x8];
	[sflag:s20] =	ssyncadd.s32 $0xFFFFF000  }
0x32: {  	[hbm:s1], [sflag:s30] =	dma.local [spmem:s17], $0x1000  }
0x33: {  	_ =	swait.ge [sflag:s15], $0x1000  }
0x34: {  	[sflag:s15] =	ssyncset.done $0x0  }
0x35: {  	s31 =	sor.u32 $0x1C06, s25;
	s1 =	rddreg [dreg:$0x9];
	[sflag:s15] =	ssyncadd.s32 $0xFFFFF000  }
0x36: {  	[hbm:s1], [sflag:s31] =	dma.local [spmem:s12], $0x1000  }
0x37: {  	_ =	swait.ge [sflag:s3], $0x1000  }
0x38: {  	[sflag:s3] =	ssyncset.done $0x0  }
0x39: {  	s1 =	rddreg [dreg:$0xa];
	[sflag:s3] =	ssyncadd.s32 $0xFFFFF000  }
0x3a: {  	[spmem:s13], [sflag:s2] =	dma.local [hbm:s1], $0x1000  }
0x3b: {  	_ =	swait.ge [sflag:s6], $0x1000  }
0x3c: {  	[sflag:s6] =	ssyncset.done $0x0  }
0x3d: {  	s1 =	rddreg [dreg:$0xb];
	[sflag:s6] =	ssyncadd.s32 $0xFFFFF000  }
0x3e: {  	[hbm:s1], [sflag:s29] =	dma.local [spmem:s13], $0x1000  }
0x3f: {  	_ =	swait.ge [sflag:s7], $0x1000  }
0x40: {  	[sflag:s7] =	ssyncset.done $0x0  }
0x41: {  	s1 =	rddreg [dreg:$0xc];
	[sflag:s7] =	ssyncadd.s32 $0xFFFFF000  }
0x42: {  	[spmem:s17], [sflag:s26] =	dma.local [hbm:s1], $0x1000  }
0x43: {  	_ =	swait.ge [sflag:s20], $0x1000  }
0x44: {  	[sflag:s20] =	ssyncset.done $0x0  }
0x45: {  	s1 =	rddreg [dreg:$0xd];
	[sflag:s20] =	ssyncadd.s32 $0xFFFFF000  }
0x46: {  	[hbm:s1], [sflag:s30] =	dma.local [spmem:s17], $0x1000  }
0x47: {  	_ =	swait.ge [sflag:s9], $0x1000  }
0x48: {  	[sflag:s9] =	ssyncset.done $0x0  }
0x49: {  	s1 =	rddreg [dreg:$0xe];
	[sflag:s9] =	ssyncadd.s32 $0xFFFFF000  }
0x4a: {  	[spmem:s12], [sflag:s28] =	dma.local [hbm:s1], $0x1000  }
0x4b: {  	_ =	swait.ge [sflag:s15], $0x1000  }
0x4c: {  	[sflag:s15] =	ssyncset.done $0x0  }
0x4d: {  	s1 =	rddreg [dreg:$0xf];
	[sflag:s15] =	ssyncadd.s32 $0xFFFFF000  }
0x4e: {  	[hbm:s1], [sflag:s31] =	dma.local [spmem:s12], $0x1000  }
0x4f: {  	_ =	swait.ge [sflag:s3], $0x1000  }
0x50: {  	[sflag:s3] =	ssyncset.done $0x0  }
0x51: {  	s1 =	rddreg [dreg:$0x10];
	[sflag:s3] =	ssyncadd.s32 $0xFFFFF000  }
0x52: {  	[spmem:s13], [sflag:s2] =	dma.local [hbm:s1], $0x1000  }
0x53: {  	_ =	swait.ge [sflag:s6], $0x1000  }
0x54: {  	[sflag:s6] =	ssyncset.done $0x0  }
0x55: {  	s1 =	rddreg [dreg:$0x11];
	[sflag:s6] =	ssyncadd.s32 $0xFFFFF000  }
0x56: {  	[hbm:s1], [sflag:s29] =	dma.local [spmem:s13], $0x1000  }
0x57: {  	_ =	swait.ge [sflag:s7], $0x1000  }
0x58: {  	[sflag:s7] =	ssyncset.done $0x0  }
0x59: {  	s1 =	rddreg [dreg:$0x12];
	[sflag:s7] =	ssyncadd.s32 $0xFFFFF000  }
0x5a: {  	[spmem:s17], [sflag:s26] =	dma.local [hbm:s1], $0x1000  }
0x5b: {  	_ =	swait.ge [sflag:s20], $0x1000  }
0x5c: {  	[sflag:s20] =	ssyncset.done $0x0  }
0x5d: {  	s1 =	rddreg [dreg:$0x13];
	[sflag:s20] =	ssyncadd.s32 $0xFFFFF000  }
0x5e: {  	[hbm:s1], [sflag:s30] =	dma.local [spmem:s17], $0x1000  }
0x5f: {  	_ =	swait.ge [sflag:s9], $0x1000  }
0x60: {  	[sflag:s9] =	ssyncset.done $0x0  }
0x61: {  	s1 =	rddreg [dreg:$0x14];
	[sflag:s9] =	ssyncadd.s32 $0xFFFFF000  }
0x62: {  	[spmem:s12], [sflag:s28] =	dma.local [hbm:s1], $0x1000  }
0x63: {  	_ =	swait.ge [sflag:s15], $0x1000  }
0x64: {  	[sflag:s15] =	ssyncset.done $0x0  }
0x65: {  	s1 =	rddreg [dreg:$0x15];
	[sflag:s15] =	ssyncadd.s32 $0xFFFFF000  }
0x66: {  	[hbm:s1], [sflag:s31] =	dma.local [spmem:s12], $0x1000  }
0x67: {  	_ =	swait.ge [sflag:s3], $0x1000  }
0x68: {  	[sflag:s3] =	ssyncset.done $0x0  }
0x69: {  	s1 =	rddreg [dreg:$0x16];
	[sflag:s3] =	ssyncadd.s32 $0xFFFFF000  }
0x6a: {  	[spmem:s13], [sflag:s2] =	dma.local [hbm:s1], $0x1000  }
0x6b: {  	_ =	swait.ge [sflag:s6], $0x1000  }
0x6c: {  	[sflag:s6] =	ssyncset.done $0x0  }
0x6d: {  	[sflag:s6] =	ssyncadd.s32 $0xFFFFF000  }
0x6e: {  	[hbm:s24], [sflag:s29] =	dma.local [spmem:s13], $0x1000  }
0x6f: {  	_ =	swait.ge [sflag:s7], $0x1000  }
0x70: {  	[sflag:s7] =	ssyncset.done $0x0  }
0x71: {  	[sflag:s7] =	ssyncadd.s32 $0xFFFFF000  }
0x72: {  	[spmem:s17], [sflag:s26] =	dma.local [hbm:s23], $0x1000  }
0x73: {  	_ =	swait.ge [sflag:s20], $0x1000  }
0x74: {  	[sflag:s20] =	ssyncset.done $0x0  }
0x75: {  	[sflag:s20] =	ssyncadd.s32 $0xFFFFF000  }
0x76: {  	[hbm:s22], [sflag:s30] =	dma.local [spmem:s17], $0x1000  }
0x77: {  	_ =	swait.ge [sflag:s9], $0x1000  }
0x78: {  	[sflag:s9] =	ssyncset.done $0x0  }
0x79: {  	[sflag:s9] =	ssyncadd.s32 $0xFFFFF000  }
0x7a: {  	[spmem:s12], [sflag:s28] =	dma.local [hbm:s21], $0x1000  }
0x7b: {  	_ =	swait.ge [sflag:s15], $0x1000  }
0x7c: {  	[sflag:s15] =	ssyncset.done $0x0  }
0x7d: {  	[sflag:s15] =	ssyncadd.s32 $0xFFFFF000  }
0x7e: {  	[hbm:s19], [sflag:s31] =	dma.local [spmem:s12], $0x1000  }
0x7f: {  	_ =	swait.ge [sflag:s3], $0x1000  }
0x80: {  	[sflag:s3] =	ssyncset.done $0x0  }
0x81: {  	[sflag:s3] =	ssyncadd.s32 $0xFFFFF000  }
0x82: {  	[spmem:s13], [sflag:s2] =	dma.local [hbm:s18], $0x1000  }
0x83: {  	_ =	swait.ge [sflag:s6], $0x1000  }
0x84: {  	[sflag:s6] =	ssyncset.done $0x0  }
0x85: {  	[sflag:s6] =	ssyncadd.s32 $0xFFFFF000  }
0x86: {  	[hbm:s16], [sflag:s29] =	dma.local [spmem:s13], $0x1000  }
0x87: {  	_ =	swait.ge [sflag:s7], $0x1000  }
0x88: {  	[sflag:s7] =	ssyncset.done $0x0  }
0x89: {  	[sflag:s7] =	ssyncadd.s32 $0xFFFFF000  }
0x8a: {  	[spmem:s17], [sflag:s26] =	dma.local [hbm:s14], $0x1000  }
0x8b: {  	_ =	swait.ge [sflag:s20], $0x1000  }
0x8c: {  	[sflag:s20] =	ssyncset.done $0x0  }
0x8d: {  	[sflag:s20] =	ssyncadd.s32 $0xFFFFF000  }
0x8e: {  	[hbm:s11], [sflag:s30] =	dma.local [spmem:s17], $0x1000  }
0x8f: {  	_ =	swait.ge [sflag:s9], $0x1000  }
0x90: {  	[sflag:s9] =	ssyncset.done $0x0  }
0x91: {  	[sflag:s9] =	ssyncadd.s32 $0xFFFFF000  }
0x92: {  	[spmem:s12], [sflag:s28] =	dma.local [hbm:s10], $0x1000  }
0x93: {  	_ =	swait.ge [sflag:s15], $0x1000  }
0x94: {  	[sflag:s15] =	ssyncset.done $0x0  }
0x95: {  	[sflag:s15] =	ssyncadd.s32 $0xFFFFF000  }
0x96: {  	[hbm:s8], [sflag:s31] =	dma.local [spmem:s12], $0x1000  }
0x97: {  	_ =	swait.ge [sflag:s3], $0x1000  }
0x98: {  	[sflag:s3] =	ssyncset.done $0x0  }
0x99: {  	[sflag:s3] =	ssyncadd.s32 $0xFFFFF000  }
0x9a: {  	[spmem:s13], [sflag:s2] =	dma.local [hbm:s5], $0x1000  }
0x9b: {  	_ =	swait.ge [sflag:s6], $0x1000  }
0x9c: {  	[sflag:s6] =	ssyncset.done $0x0  }
0x9d: {  	[sflag:s6] =	ssyncadd.s32 $0xFFFFF000  }
0x9e: {  	[hbm:s4], [sflag:s29] =	dma.local [spmem:s13], $0x1000  }
0x9f: {  	_ =	swait.ge [sflag:s7], $0x1000  }
0xa0: {  	[sflag:s7] =	ssyncset.done $0x0  }
0xa1: {  	p1 =	sne.s32 s0, $0x1;
	[sflag:s7] =	ssyncadd.s32 $0xFFFFF000  }
.Ltmp1:
0xa2: {  	_ =	swait.ge [sflag:s9], $0x1000;
	(pc) =	sbr.rel @!p1 .LBB2_2-.Ltmp1, $4  }
0xa3: {  	[sflag:s9] =	ssyncset.done $0x0  }
0xa4: {  	[sflag:s9] =	ssyncadd.s32 $0xFFFFF000  }
0xa5: {  	s0 =	sadd.s32 $0xFFFFFFFF, s0;
	_ =	swait.ge [sflag:s3], $0x1000  }
0xa6: {  	p0 =	por $0x1, $0x1;
	s1 =	rddreg [dreg:$0x4];
	[sflag:s3] =	ssyncset.done $0x0  }
.LBB2_3:
0xa7: {  	[sflag:s3] =	ssyncadd.s32 $0xFFFFF000  }
0xa8: {  	[spmem:s13], [sflag:s2] =	dma.local [hbm:s1], $0x1000  }
0xa9: {  	s1 =	rddreg [dreg:$0x5]  }
0xaa: {  	[spmem:s17], [sflag:s26] =	dma.local [hbm:s1], $0x1000  }
0xab: {  	s1 =	rddreg [dreg:$0x6]  }
0xac: {  	[spmem:s12], [sflag:s28] =	dma.local [hbm:s1], $0x1000  }
0xad: {  	_ =	swait.ge [sflag:s6], $0x1000  }
0xae: {  	[sflag:s6] =	ssyncset.done $0x0  }
0xaf: {  	s1 =	rddreg [dreg:$0x7];
	[sflag:s6] =	ssyncadd.s32 $0xFFFFF000  }
0xb0: {  	[hbm:s1], [sflag:s29] =	dma.local [spmem:s13], $0x1000  }
0xb1: {  	_ =	swait.ge [sflag:s20], $0x1000  }
0xb2: {  	[sflag:s20] =	ssyncset.done $0x0  }
0xb3: {  	s1 =	rddreg [dreg:$0x8];
	[sflag:s20] =	ssyncadd.s32 $0xFFFFF000  }
0xb4: {  	[hbm:s1], [sflag:s30] =	dma.local [spmem:s17], $0x1000  }
0xb5: {  	_ =	swait.ge [sflag:s15], $0x1000  }
0xb6: {  	[sflag:s15] =	ssyncset.done $0x0  }
0xb7: {  	s1 =	rddreg [dreg:$0x9];
	[sflag:s15] =	ssyncadd.s32 $0xFFFFF000  }
0xb8: {  	[hbm:s1], [sflag:s31] =	dma.local [spmem:s12], $0x1000  }
0xb9: {  	_ =	swait.ge [sflag:s3], $0x1000  }
0xba: {  	[sflag:s3] =	ssyncset.done $0x0  }
0xbb: {  	s1 =	rddreg [dreg:$0xa];
	[sflag:s3] =	ssyncadd.s32 $0xFFFFF000  }
0xbc: {  	[spmem:s13], [sflag:s2] =	dma.local [hbm:s1], $0x1000  }
0xbd: {  	_ =	swait.ge [sflag:s6], $0x1000  }
0xbe: {  	[sflag:s6] =	ssyncset.done $0x0  }
0xbf: {  	s1 =	rddreg [dreg:$0xb];
	[sflag:s6] =	ssyncadd.s32 $0xFFFFF000  }
0xc0: {  	[hbm:s1], [sflag:s29] =	dma.local [spmem:s13], $0x1000  }
0xc1: {  	_ =	swait.ge [sflag:s7], $0x1000  }
0xc2: {  	[sflag:s7] =	ssyncset.done $0x0  }
0xc3: {  	s1 =	rddreg [dreg:$0xc];
	[sflag:s7] =	ssyncadd.s32 $0xFFFFF000  }
0xc4: {  	[spmem:s17], [sflag:s26] =	dma.local [hbm:s1], $0x1000  }
0xc5: {  	_ =	swait.ge [sflag:s20], $0x1000  }
0xc6: {  	[sflag:s20] =	ssyncset.done $0x0  }
0xc7: {  	s1 =	rddreg [dreg:$0xd];
	[sflag:s20] =	ssyncadd.s32 $0xFFFFF000  }
0xc8: {  	[hbm:s1], [sflag:s30] =	dma.local [spmem:s17], $0x1000  }
0xc9: {  	_ =	swait.ge [sflag:s9], $0x1000  }
0xca: {  	[sflag:s9] =	ssyncset.done $0x0  }
0xcb: {  	s1 =	rddreg [dreg:$0xe];
	[sflag:s9] =	ssyncadd.s32 $0xFFFFF000  }
0xcc: {  	[spmem:s12], [sflag:s28] =	dma.local [hbm:s1], $0x1000  }
0xcd: {  	_ =	swait.ge [sflag:s15], $0x1000  }
0xce: {  	[sflag:s15] =	ssyncset.done $0x0  }
0xcf: {  	s1 =	rddreg [dreg:$0xf];
	[sflag:s15] =	ssyncadd.s32 $0xFFFFF000  }
0xd0: {  	[hbm:s1], [sflag:s31] =	dma.local [spmem:s12], $0x1000  }
0xd1: {  	_ =	swait.ge [sflag:s3], $0x1000  }
0xd2: {  	[sflag:s3] =	ssyncset.done $0x0  }
0xd3: {  	s1 =	rddreg [dreg:$0x10];
	[sflag:s3] =	ssyncadd.s32 $0xFFFFF000  }
0xd4: {  	[spmem:s13], [sflag:s2] =	dma.local [hbm:s1], $0x1000  }
0xd5: {  	_ =	swait.ge [sflag:s6], $0x1000  }
0xd6: {  	[sflag:s6] =	ssyncset.done $0x0  }
0xd7: {  	s1 =	rddreg [dreg:$0x11];
	[sflag:s6] =	ssyncadd.s32 $0xFFFFF000  }
0xd8: {  	[hbm:s1], [sflag:s29] =	dma.local [spmem:s13], $0x1000  }
0xd9: {  	_ =	swait.ge [sflag:s7], $0x1000  }
0xda: {  	[sflag:s7] =	ssyncset.done $0x0  }
0xdb: {  	s1 =	rddreg [dreg:$0x12];
	[sflag:s7] =	ssyncadd.s32 $0xFFFFF000  }
0xdc: {  	[spmem:s17], [sflag:s26] =	dma.local [hbm:s1], $0x1000  }
0xdd: {  	_ =	swait.ge [sflag:s20], $0x1000  }
0xde: {  	[sflag:s20] =	ssyncset.done $0x0  }
0xdf: {  	s1 =	rddreg [dreg:$0x13];
	[sflag:s20] =	ssyncadd.s32 $0xFFFFF000  }
0xe0: {  	[hbm:s1], [sflag:s30] =	dma.local [spmem:s17], $0x1000  }
0xe1: {  	_ =	swait.ge [sflag:s9], $0x1000  }
0xe2: {  	[sflag:s9] =	ssyncset.done $0x0  }
0xe3: {  	s1 =	rddreg [dreg:$0x14];
	[sflag:s9] =	ssyncadd.s32 $0xFFFFF000  }
0xe4: {  	[spmem:s12], [sflag:s28] =	dma.local [hbm:s1], $0x1000  }
0xe5: {  	_ =	swait.ge [sflag:s15], $0x1000  }
0xe6: {  	[sflag:s15] =	ssyncset.done $0x0  }
0xe7: {  	s1 =	rddreg [dreg:$0x15];
	[sflag:s15] =	ssyncadd.s32 $0xFFFFF000  }
0xe8: {  	[hbm:s1], [sflag:s31] =	dma.local [spmem:s12], $0x1000  }
0xe9: {  	_ =	swait.ge [sflag:s3], $0x1000  }
0xea: {  	[sflag:s3] =	ssyncset.done $0x0  }
0xeb: {  	s1 =	rddreg [dreg:$0x16];
	[sflag:s3] =	ssyncadd.s32 $0xFFFFF000  }
0xec: {  	[spmem:s13], [sflag:s2] =	dma.local [hbm:s1], $0x1000  }
0xed: {  	_ =	swait.ge [sflag:s6], $0x1000  }
0xee: {  	[sflag:s6] =	ssyncset.done $0x0  }
0xef: {  	[sflag:s6] =	ssyncadd.s32 $0xFFFFF000  }
0xf0: {  	[hbm:s24], [sflag:s29] =	dma.local [spmem:s13], $0x1000  }
0xf1: {  	_ =	swait.ge [sflag:s7], $0x1000  }
0xf2: {  	[sflag:s7] =	ssyncset.done $0x0  }
0xf3: {  	[sflag:s7] =	ssyncadd.s32 $0xFFFFF000  }
0xf4: {  	[spmem:s17], [sflag:s26] =	dma.local [hbm:s23], $0x1000  }
0xf5: {  	_ =	swait.ge [sflag:s20], $0x1000  }
0xf6: {  	[sflag:s20] =	ssyncset.done $0x0  }
0xf7: {  	[sflag:s20] =	ssyncadd.s32 $0xFFFFF000  }
0xf8: {  	[hbm:s22], [sflag:s30] =	dma.local [spmem:s17], $0x1000  }
0xf9: {  	_ =	swait.ge [sflag:s9], $0x1000  }
0xfa: {  	[sflag:s9] =	ssyncset.done $0x0  }
0xfb: {  	[sflag:s9] =	ssyncadd.s32 $0xFFFFF000  }
0xfc: {  	[spmem:s12], [sflag:s28] =	dma.local [hbm:s21], $0x1000  }
0xfd: {  	_ =	swait.ge [sflag:s15], $0x1000  }
0xfe: {  	[sflag:s15] =	ssyncset.done $0x0  }
0xff: {  	[sflag:s15] =	ssyncadd.s32 $0xFFFFF000  }
0x100: {  	[hbm:s19], [sflag:s31] =	dma.local [spmem:s12], $0x1000  }
0x101: {  	_ =	swait.ge [sflag:s3], $0x1000  }
0x102: {  	[sflag:s3] =	ssyncset.done $0x0  }
0x103: {  	[sflag:s3] =	ssyncadd.s32 $0xFFFFF000  }
0x104: {  	[spmem:s13], [sflag:s2] =	dma.local [hbm:s18], $0x1000  }
0x105: {  	_ =	swait.ge [sflag:s6], $0x1000  }
0x106: {  	[sflag:s6] =	ssyncset.done $0x0  }
0x107: {  	[sflag:s6] =	ssyncadd.s32 $0xFFFFF000  }
0x108: {  	[hbm:s16], [sflag:s29] =	dma.local [spmem:s13], $0x1000  }
0x109: {  	_ =	swait.ge [sflag:s7], $0x1000  }
0x10a: {  	[sflag:s7] =	ssyncset.done $0x0  }
0x10b: {  	[sflag:s7] =	ssyncadd.s32 $0xFFFFF000  }
0x10c: {  	[spmem:s17], [sflag:s26] =	dma.local [hbm:s14], $0x1000  }
0x10d: {  	_ =	swait.ge [sflag:s20], $0x1000  }
0x10e: {  	[sflag:s20] =	ssyncset.done $0x0  }
0x10f: {  	[sflag:s20] =	ssyncadd.s32 $0xFFFFF000  }
0x110: {  	[hbm:s11], [sflag:s30] =	dma.local [spmem:s17], $0x1000  }
0x111: {  	_ =	swait.ge [sflag:s9], $0x1000  }
0x112: {  	[sflag:s9] =	ssyncset.done $0x0  }
0x113: {  	[sflag:s9] =	ssyncadd.s32 $0xFFFFF000  }
0x114: {  	[spmem:s12], [sflag:s28] =	dma.local [hbm:s10], $0x1000  }
0x115: {  	_ =	swait.ge [sflag:s15], $0x1000  }
0x116: {  	[sflag:s15] =	ssyncset.done $0x0  }
0x117: {  	[sflag:s15] =	ssyncadd.s32 $0xFFFFF000  }
0x118: {  	[hbm:s8], [sflag:s31] =	dma.local [spmem:s12], $0x1000  }
0x119: {  	_ =	swait.ge [sflag:s3], $0x1000  }
0x11a: {  	[sflag:s3] =	ssyncset.done $0x0  }
0x11b: {  	[sflag:s3] =	ssyncadd.s32 $0xFFFFF000  }
0x11c: {  	[spmem:s13], [sflag:s2] =	dma.local [hbm:s5], $0x1000  }
0x11d: {  	_ =	swait.ge [sflag:s6], $0x1000  }
0x11e: {  	[sflag:s6] =	ssyncset.done $0x0  }
0x11f: {  	[sflag:s6] =	ssyncadd.s32 $0xFFFFF000  }
0x120: {  	[hbm:s4], [sflag:s29] =	dma.local [spmem:s13], $0x1000  }
0x121: {  	_ =	swait.ge [sflag:s7], $0x1000  }
0x122: {  	[sflag:s7] =	ssyncset.done $0x0  }
0x123: {  	p1 =	sne.s32 s0, $0x1;
	[sflag:s7] =	ssyncadd.s32 $0xFFFFF000  }
.Ltmp2:
0x124: {  	_ =	swait.ge [sflag:s9], $0x1000;
	(pc) =	sbr.rel @p1 .LBB2_3-.Ltmp2, $4  }
0x125: {  	[sflag:s9] =	ssyncset.done $0x0  }
0x126: {  	[sflag:s9] =	ssyncadd.s32 $0xFFFFF000  }
0x127: {  	_ =	swait.ge [sflag:s3], $0x1000  }
0x128: {  	s0 =	sadd.s32 $0xFFFFFFFF, s0;
	s1 =	rddreg [dreg:$0x4];
	[sflag:s3] =	ssyncset.done $0x0  }
0x129: {  	s30 =	rddreg [dreg:$0x3];
	s31 =	stileid.u32  }
.LBB2_5:
0x12a: {  	[sflag:s3] =	ssyncadd.s32 @p0 $0xFFFFF000  }
0x12b: {  	[spmem:s13], [sflag:s2] =	dma.local [hbm:s1], $0x1000  }
0x12c: {  	s28 =	sor.u32 $0x1C02, s25;
	s0 =	rddreg [dreg:$0x5]  }
0x12d: {  	[spmem:s17], [sflag:s28] =	dma.local [hbm:s0], $0x1000  }
0x12e: {  	s26 =	sor.u32 $0x1C03, s25;
	s0 =	rddreg [dreg:$0x6]  }
0x12f: {  	[spmem:s12], [sflag:s26] =	dma.local [hbm:s0], $0x1000  }
0x130: {  	_ =	swait.ge [sflag:s6], $0x1000  }
0x131: {  	[sflag:s6] =	ssyncset.done $0x0  }
0x132: {  	s0 =	sor.u32 $0x1C04, s25;
	s29 =	rddreg [dreg:$0x7];
	[sflag:s6] =	ssyncadd.s32 $0xFFFFF000  }
0x133: {  	[hbm:s29], [sflag:s0] =	dma.local [spmem:s13], $0x1000  }
0x134: {  	_ =	swait.ge [sflag:s20], $0x1000  }
0x135: {  	[sflag:s20] =	ssyncset.done $0x0  }
0x136: {  	s29 =	sor.u32 $0x1C05, s25;
	s1 =	rddreg [dreg:$0x8];
	[sflag:s20] =	ssyncadd.s32 $0xFFFFF000  }
0x137: {  	[hbm:s1], [sflag:s29] =	dma.local [spmem:s17], $0x1000  }
0x138: {  	_ =	swait.ge [sflag:s15], $0x1000  }
0x139: {  	[sflag:s15] =	ssyncset.done $0x0  }
0x13a: {  	s25 =	sor.u32 $0x1C06, s25;
	s1 =	rddreg [dreg:$0x9];
	[sflag:s15] =	ssyncadd.s32 $0xFFFFF000  }
0x13b: {  	[hbm:s1], [sflag:s25] =	dma.local [spmem:s12], $0x1000  }
0x13c: {  	_ =	swait.ge [sflag:s3], $0x1000  }
0x13d: {  	[sflag:s3] =	ssyncset.done $0x0  }
0x13e: {  	s1 =	rddreg [dreg:$0xa];
	[sflag:s3] =	ssyncadd.s32 $0xFFFFF000  }
0x13f: {  	[spmem:s13], [sflag:s2] =	dma.local [hbm:s1], $0x1000  }
0x140: {  	_ =	swait.ge [sflag:s6], $0x1000  }
0x141: {  	[sflag:s6] =	ssyncset.done $0x0  }
0x142: {  	s1 =	rddreg [dreg:$0xb];
	[sflag:s6] =	ssyncadd.s32 $0xFFFFF000  }
0x143: {  	[hbm:s1], [sflag:s0] =	dma.local [spmem:s13], $0x1000  }
0x144: {  	_ =	swait.ge [sflag:s7], $0x1000  }
0x145: {  	[sflag:s7] =	ssyncset.done $0x0  }
0x146: {  	s1 =	rddreg [dreg:$0xc];
	[sflag:s7] =	ssyncadd.s32 $0xFFFFF000  }
0x147: {  	[spmem:s17], [sflag:s28] =	dma.local [hbm:s1], $0x1000  }
0x148: {  	_ =	swait.ge [sflag:s20], $0x1000  }
0x149: {  	[sflag:s20] =	ssyncset.done $0x0  }
0x14a: {  	s1 =	rddreg [dreg:$0xd];
	[sflag:s20] =	ssyncadd.s32 $0xFFFFF000  }
0x14b: {  	[hbm:s1], [sflag:s29] =	dma.local [spmem:s17], $0x1000  }
0x14c: {  	_ =	swait.ge [sflag:s9], $0x1000  }
0x14d: {  	[sflag:s9] =	ssyncset.done $0x0  }
0x14e: {  	s1 =	rddreg [dreg:$0xe];
	[sflag:s9] =	ssyncadd.s32 $0xFFFFF000  }
0x14f: {  	[spmem:s12], [sflag:s26] =	dma.local [hbm:s1], $0x1000  }
0x150: {  	_ =	swait.ge [sflag:s15], $0x1000  }
0x151: {  	[sflag:s15] =	ssyncset.done $0x0  }
0x152: {  	s1 =	rddreg [dreg:$0xf];
	[sflag:s15] =	ssyncadd.s32 $0xFFFFF000  }
0x153: {  	[hbm:s1], [sflag:s25] =	dma.local [spmem:s12], $0x1000  }
0x154: {  	_ =	swait.ge [sflag:s3], $0x1000  }
0x155: {  	[sflag:s3] =	ssyncset.done $0x0  }
0x156: {  	s1 =	rddreg [dreg:$0x10];
	[sflag:s3] =	ssyncadd.s32 $0xFFFFF000  }
0x157: {  	[spmem:s13], [sflag:s2] =	dma.local [hbm:s1], $0x1000  }
0x158: {  	_ =	swait.ge [sflag:s6], $0x1000  }
0x159: {  	[sflag:s6] =	ssyncset.done $0x0  }
0x15a: {  	s1 =	rddreg [dreg:$0x11];
	[sflag:s6] =	ssyncadd.s32 $0xFFFFF000  }
0x15b: {  	[hbm:s1], [sflag:s0] =	dma.local [spmem:s13], $0x1000  }
0x15c: {  	_ =	swait.ge [sflag:s7], $0x1000  }
0x15d: {  	[sflag:s7] =	ssyncset.done $0x0  }
0x15e: {  	s1 =	rddreg [dreg:$0x12];
	[sflag:s7] =	ssyncadd.s32 $0xFFFFF000  }
0x15f: {  	[spmem:s17], [sflag:s28] =	dma.local [hbm:s1], $0x1000  }
0x160: {  	_ =	swait.ge [sflag:s20], $0x1000  }
0x161: {  	[sflag:s20] =	ssyncset.done $0x0  }
0x162: {  	s1 =	rddreg [dreg:$0x13];
	[sflag:s20] =	ssyncadd.s32 $0xFFFFF000  }
0x163: {  	[hbm:s1], [sflag:s29] =	dma.local [spmem:s17], $0x1000  }
0x164: {  	_ =	swait.ge [sflag:s9], $0x1000  }
0x165: {  	[sflag:s9] =	ssyncset.done $0x0  }
0x166: {  	s1 =	rddreg [dreg:$0x14];
	[sflag:s9] =	ssyncadd.s32 $0xFFFFF000  }
0x167: {  	[spmem:s12], [sflag:s26] =	dma.local [hbm:s1], $0x1000  }
0x168: {  	_ =	swait.ge [sflag:s15], $0x1000  }
0x169: {  	[sflag:s15] =	ssyncset.done $0x0  }
0x16a: {  	s1 =	rddreg [dreg:$0x15];
	[sflag:s15] =	ssyncadd.s32 $0xFFFFF000  }
0x16b: {  	[hbm:s1], [sflag:s25] =	dma.local [spmem:s12], $0x1000  }
0x16c: {  	_ =	swait.ge [sflag:s3], $0x1000  }
0x16d: {  	[sflag:s3] =	ssyncset.done $0x0  }
0x16e: {  	s1 =	rddreg [dreg:$0x16];
	[sflag:s3] =	ssyncadd.s32 $0xFFFFF000  }
0x16f: {  	[spmem:s13], [sflag:s2] =	dma.local [hbm:s1], $0x1000  }
0x170: {  	_ =	swait.ge [sflag:s6], $0x1000  }
0x171: {  	[sflag:s6] =	ssyncset.done $0x0  }
0x172: {  	[sflag:s6] =	ssyncadd.s32 $0xFFFFF000  }
0x173: {  	[hbm:s24], [sflag:s0] =	dma.local [spmem:s13], $0x1000  }
0x174: {  	_ =	swait.ge [sflag:s7], $0x1000  }
0x175: {  	[sflag:s7] =	ssyncset.done $0x0  }
0x176: {  	[sflag:s7] =	ssyncadd.s32 $0xFFFFF000  }
0x177: {  	[spmem:s17], [sflag:s28] =	dma.local [hbm:s23], $0x1000  }
0x178: {  	_ =	swait.ge [sflag:s20], $0x1000  }
0x179: {  	[sflag:s20] =	ssyncset.done $0x0  }
0x17a: {  	[sflag:s20] =	ssyncadd.s32 $0xFFFFF000  }
0x17b: {  	[hbm:s22], [sflag:s29] =	dma.local [spmem:s17], $0x1000  }
0x17c: {  	_ =	swait.ge [sflag:s9], $0x1000  }
0x17d: {  	[sflag:s9] =	ssyncset.done $0x0  }
0x17e: {  	[sflag:s9] =	ssyncadd.s32 $0xFFFFF000  }
0x17f: {  	[spmem:s12], [sflag:s26] =	dma.local [hbm:s21], $0x1000  }
0x180: {  	_ =	swait.ge [sflag:s15], $0x1000  }
0x181: {  	[sflag:s15] =	ssyncset.done $0x0  }
0x182: {  	[sflag:s15] =	ssyncadd.s32 $0xFFFFF000  }
0x183: {  	[hbm:s19], [sflag:s25] =	dma.local [spmem:s12], $0x1000  }
0x184: {  	_ =	swait.ge [sflag:s3], $0x1000  }
0x185: {  	[sflag:s3] =	ssyncset.done $0x0  }
0x186: {  	[sflag:s3] =	ssyncadd.s32 $0xFFFFF000  }
0x187: {  	[spmem:s13], [sflag:s2] =	dma.local [hbm:s18], $0x1000  }
0x188: {  	_ =	swait.ge [sflag:s6], $0x1000  }
0x189: {  	[sflag:s6] =	ssyncset.done $0x0  }
0x18a: {  	[sflag:s6] =	ssyncadd.s32 $0xFFFFF000  }
0x18b: {  	[hbm:s16], [sflag:s0] =	dma.local [spmem:s13], $0x1000  }
0x18c: {  	_ =	swait.ge [sflag:s7], $0x1000  }
0x18d: {  	[sflag:s7] =	ssyncset.done $0x0  }
0x18e: {  	[sflag:s7] =	ssyncadd.s32 $0xFFFFF000  }
0x18f: {  	[spmem:s17], [sflag:s28] =	dma.local [hbm:s14], $0x1000  }
0x190: {  	_ =	swait.ge [sflag:s20], $0x1000  }
0x191: {  	[sflag:s20] =	ssyncset.done $0x0  }
0x192: {  	[sflag:s20] =	ssyncadd.s32 $0xFFFFF000  }
0x193: {  	[hbm:s11], [sflag:s29] =	dma.local [spmem:s17], $0x1000  }
0x194: {  	_ =	swait.ge [sflag:s9], $0x1000  }
0x195: {  	[sflag:s9] =	ssyncset.done $0x0  }
0x196: {  	[sflag:s9] =	ssyncadd.s32 $0xFFFFF000  }
0x197: {  	[spmem:s12], [sflag:s26] =	dma.local [hbm:s10], $0x1000  }
0x198: {  	_ =	swait.ge [sflag:s15], $0x1000  }
0x199: {  	[sflag:s15] =	ssyncset.done $0x0  }
0x19a: {  	[sflag:s15] =	ssyncadd.s32 $0xFFFFF000  }
0x19b: {  	[hbm:s8], [sflag:s25] =	dma.local [spmem:s12], $0x1000  }
0x19c: {  	_ =	swait.ge [sflag:s3], $0x1000  }
0x19d: {  	[sflag:s3] =	ssyncset.done $0x0  }
0x19e: {  	[sflag:s3] =	ssyncadd.s32 $0xFFFFF000  }
0x19f: {  	[spmem:s13], [sflag:s2] =	dma.local [hbm:s5], $0x1000  }
0x1a0: {  	_ =	swait.ge [sflag:s6], $0x1000  }
0x1a1: {  	[sflag:s6] =	ssyncset.done $0x0  }
0x1a2: {  	[sflag:s6] =	ssyncadd.s32 $0xFFFFF000  }
0x1a3: {  	[hbm:s4], [sflag:s0] =	dma.local [spmem:s13], $0x1000  }
0x1a4: {  	_ =	swait.ge [sflag:s7], $0x1000  }
0x1a5: {  	[sflag:s7] =	ssyncset.done $0x0  }
0x1a6: {  	[sflag:s7] =	ssyncadd.s32 $0xFFFFF000  }
0x1a7: {  	_ =	swait.ge [sflag:s9], $0x1000  }
0x1a8: {  	[sflag:s9] =	ssyncset.done $0x0  }
0x1a9: {  	[sflag:s9] =	ssyncadd.s32 $0xFFFFF000  }
0x1aa: {  	_ =	swait.ge [sflag:s3], $0x1000  }
0x1ab: {  	[sflag:s3] =	ssyncset.done $0x0  }
0x1ac: {  	[sflag:s3] =	ssyncadd.s32 $0xFFFFF000  }
0x1ad: {  	_ =	sfence.sel $0x180000  }
0x1ae: {  	[bflag:$0x0] =	sbarrier.arrive $0xFFFF  }
0x1af: {  	p0 =	sne.s32 s31, $0x0;
	_ =	strace $0x90000047  }
0x1b0: {  	s0 =	sadd.s32 @!p0 $0x100000, s30;
	[bflag:$0x2] =	sbarrier.arrive $0xFFFF  }
0x1b1: {  	[sflag:s0] =	ssyncadd.tile.s32 @!p0 $0x1;
	_ =	shalt  }
.LBB2_2:
.Ltmp3:
0x1b2: {  	(pc) =	sbr.rel .LBB2_5-.Ltmp3, $2  }
0x1b3: {  	_ =	sdelay $0x2  }
0x1b4: {  	s30 =	rddreg [dreg:$0x3];
	s31 =	stileid.u32  }
.Lfunc_end2:
_tile_overlayer_lowered:
.L_overlay_start_2:
0x1b5: {  	(tag) =	ssettag $0x2  }
0x1b6: {  	s0 =	rddreg [dreg:$0x0];
	s2 =	stileid.u32  }
0x1b7: {  	s1 =	rddreg [dreg:$0x1];
	p0 =	sne.s32 s2, $0x0  }
0x1b8: {  	s3 =	rddreg [dreg:$0x2];
	[bflag:$0x3] =	sbarrier.arrive $0xFFFF;
	s2 =	simm.s32 @!p0 $0x1C07  }
0x1b9: {  	[timem:s3], [sflag:s2] =	dma.local @!p0 [hbm:s0], s1  }
0x1ba: {  	s0 =	simm.s32 @!p0 $0x7  }
0x1bb: {  	_ =	swait.ge @!p0 [sflag:s0], s1  }
0x1bc: {  	s1 =	ssub.s32 @!p0 $0x0, s1;
	[sflag:s0] =	ssyncset.done @!p0 $0x0  }
0x1bd: {  	[sflag:s0] =	ssyncadd.s32 @!p0 s1  }
0x1be: {  	[bflag:$0x3] =	sbarrier.arrive $0xFFFF  }
0x1bf: {  	_ =	shalt  }

</sc_bundles>
